<compile_context>
chip_gen: v7x
topology: tpu7x:2x2x1
jax: 0.10.2.dev20260603
libtpu: 0.0.44.dev20260713+nightly
codegen_flags: <defaults>
</compile_context>

<pallas_src>
import functools

import jax
import jax.numpy as jnp
from jax import lax
from jax.experimental import pallas as pl
from jax.experimental.pallas import tpu as pltpu
from jax.experimental.pallas import tpu_sc as plsc

BATCH = 16384
DIM = 128
CHUNK = 128
NBUF = 7


@functools.lru_cache(maxsize=None)
def _make_kernel():
    info = plsc.get_sparse_core_info()
    nc = info.num_cores
    nw = nc * info.num_subcores
    b_per_w = BATCH // nw
    n_chunks = b_per_w // CHUNK

    mesh = plsc.VectorSubcoreMesh(core_axis_name="c", subcore_axis_name="s")

    @functools.partial(
        pl.kernel,
        mesh=mesh,
        out_type=(
            jax.ShapeDtypeStruct((BATCH, DIM), jnp.float32),
            jax.ShapeDtypeStruct((BATCH, DIM), jnp.float32),
        ),
        scratch_types=[
            pltpu.VMEM((n_chunks, CHUNK), jnp.int32),
            pltpu.VMEM((n_chunks, CHUNK), jnp.int32),
            pltpu.VMEM((NBUF * CHUNK, DIM), jnp.float32),
            pltpu.SemaphoreType.DMA,
            pltpu.SemaphoreType.DMA,
        ],
    )
    def k(uids, iids, utab, itab, uout, iout, uidx, iidx, rows, gsem, wsem):
        wid = lax.axis_index("s") * nc + lax.axis_index("c")
        base = wid * n_chunks
        c1 = pltpu.async_copy(uids.at[pl.ds(base, n_chunks)], uidx, wsem)
        c2 = pltpu.async_copy(iids.at[pl.ds(base, n_chunks)], iidx, wsem)

        tasks = []
        for j in range(n_chunks):
            tasks.append((uidx.at[j], utab, uout, wid * b_per_w + j * CHUNK))
            tasks.append((iidx.at[j], itab, iout, wid * b_per_w + j * CHUNK))
        nt = len(tasks)
        LAG = 1
        gathers = [None] * nt
        writes = [None] * nt

        def buf(t):
            return rows.at[pl.ds((t % NBUF) * CHUNK, CHUNK)]

        for t in range(nt + LAG):
            if t < nt:
                if t == 0:
                    c1.wait()
                if t == 1:
                    c2.wait()
                if t >= NBUF:
                    writes[t - NBUF].wait()
                idx_row, tab, _, _ = tasks[t]
                gathers[t] = pltpu.async_copy(tab.at[idx_row], buf(t), gsem)
            if t >= LAG:
                s = t - LAG
                gathers[s].wait()
                _, _, out, off = tasks[s]
                writes[s] = pltpu.async_copy(
                    buf(s), out.at[pl.ds(off, CHUNK)], wsem
                )
        for s in range(nt - NBUF, nt):
            writes[s].wait()

    return k


def kernel(user_ids, item_ids, user_table, item_table):
    uids = user_ids.astype(jnp.int32).reshape(BATCH // CHUNK, CHUNK)
    iids = item_ids.astype(jnp.int32).reshape(BATCH // CHUNK, CHUNK)
    return _make_kernel()(uids, iids, user_table, item_table)

# --- scband reference (transcript-rebuilt; emitter-appended) ---
"""Pipeline reference for scband-hetero-embedding-10934986735755 (READ-ONLY COPY).

The authoritative reference and input builder live on the scoring server;
editing this copy changes nothing except your own understanding.
"""

import jax, jax.numpy as jnp
import numpy as np

VOCAB = 100000
BATCH = 16384
DIM = 128

def setup_inputs(seed: int = 0) -> dict:
    key = jax.random.key(seed)
    k1, k2, k3, k4 = jax.random.split(key, 4)
    user_table = jax.random.normal(k1, (VOCAB, DIM), dtype=jnp.float32)
    item_table = jax.random.normal(k2, (VOCAB, DIM), dtype=jnp.float32)
    user_ids = jax.random.randint(k3, (BATCH,), 0, VOCAB, dtype=jnp.int64 if jax.config.read('jax_enable_x64') else jnp.int32)
    item_ids = jax.random.randint(k4, (BATCH,), 0, VOCAB, dtype=jnp.int64 if jax.config.read('jax_enable_x64') else jnp.int32)
    return {"user_ids": user_ids, "item_ids": item_ids, "user_table": user_table, "item_table": item_table}

def reference(user_ids, item_ids, user_table, item_table):
    # HeteroEmbedding.forward: per-type embedding lookup (nn.Embedding == row gather)
    user_emb = jnp.take(user_table, user_ids, axis=0)
    item_emb = jnp.take(item_table, item_ids, axis=0)
    return (user_emb, item_emb)

if __name__ == "__main__":
    import jax
    _d = setup_inputs()
    print(jax.jit(kernel)(*tuple(_d.values())))

</pallas_src>

<mosaic_0001>
#map = affine_map<(d0, d1) -> (0, 0)>
module attributes {stable_mosaic.version = 14 : i64} {
  func.func @k(%arg0: i32, %arg1: i32, %arg2: memref<128x128xi32, #tpu.memory_space<hbm>>, %arg3: memref<128x128xi32, #tpu.memory_space<hbm>>, %arg4: memref<100000x128xf32, #tpu.memory_space<hbm>>, %arg5: memref<100000x128xf32, #tpu.memory_space<hbm>>, %arg6: memref<16384x128xf32, #tpu.memory_space<hbm>>, %arg7: memref<16384x128xf32, #tpu.memory_space<hbm>>, %arg8: memref<4x128xi32, #tpu.memory_space<vmem>>, %arg9: memref<4x128xi32, #tpu.memory_space<vmem>>, %arg10: memref<896x128xf32, #tpu.memory_space<vmem>>, %arg11: memref<!tpu.dma_semaphore, #tpu.memory_space<semaphore_mem>>, %arg12: memref<!tpu.dma_semaphore, #tpu.memory_space<semaphore_mem>>) attributes {dimension_semantics = [#tpu.dimension_semantics<core_parallel>, #tpu.dimension_semantics<subcore_parallel>], iteration_bounds = array<i64: 2, 16>, scalar_prefetch = 0 : i64, scratch_operands = 5 : i64, tpu.core_type = #tpu.core_type<sc_vector_subcore>, window_params = [{transform_indices = #map}, {transform_indices = #map}, {transform_indices = #map}, {transform_indices = #map}, {transform_indices = #map}, {transform_indices = #map}]} {
    %mul3A = arith.constant 2 : i32
    %mul3A_0 = arith.muli %arg1, %mul3A : i32
    %add3A = arith.addi %mul3A_0, %arg0 : i32
    %mul3A_1 = arith.constant 4 : i32
    %mul3A_2 = arith.muli %add3A, %mul3A_1 : i32
    %dma_start3A = arith.constant 0 : i32
    %dma_start3A_3 = tpu.memref_slice %arg2[%mul3A_2, %dma_start3A] : memref<128x128xi32, #tpu.memory_space<hbm>> -> memref<4x128xi32, #tpu.memory_space<hbm>>
    %dma_start3A_4 = arith.constant 0 : i32
    %dma_start3A_5 = tpu.memref_slice %arg2[%mul3A_2, %dma_start3A_4] : memref<128x128xi32, #tpu.memory_space<hbm>> -> memref<4x128xi32, #tpu.memory_space<hbm>>
    tpu.enqueue_dma source(%dma_start3A_5 : memref<4x128xi32, #tpu.memory_space<hbm>>) target(%arg8 : memref<4x128xi32, #tpu.memory_space<vmem>>) target_semaphore(%arg12 : memref<!tpu.dma_semaphore, #tpu.memory_space<semaphore_mem>>)
    %dma_start3A_6 = arith.constant 0 : i32
    %dma_start3A_7 = tpu.memref_slice %arg3[%mul3A_2, %dma_start3A_6] : memref<128x128xi32, #tpu.memory_space<hbm>> -> memref<4x128xi32, #tpu.memory_space<hbm>>
    %dma_start3A_8 = arith.constant 0 : i32
    %dma_start3A_9 = tpu.memref_slice %arg3[%mul3A_2, %dma_start3A_8] : memref<128x128xi32, #tpu.memory_space<hbm>> -> memref<4x128xi32, #tpu.memory_space<hbm>>
    tpu.enqueue_dma source(%dma_start3A_9 : memref<4x128xi32, #tpu.memory_space<hbm>>) target(%arg9 : memref<4x128xi32, #tpu.memory_space<vmem>>) target_semaphore(%arg12 : memref<!tpu.dma_semaphore, #tpu.memory_space<semaphore_mem>>)
    %mul3A_10 = arith.constant 512 : i32
    %mul3A_11 = arith.muli %add3A, %mul3A_10 : i32
    %add3A_12 = arith.constant 0 : i32
    %add3A_13 = arith.addi %mul3A_11, %add3A_12 : i32
    %mul3A_14 = arith.constant 512 : i32
    %mul3A_15 = arith.muli %add3A, %mul3A_14 : i32
    %add3A_16 = arith.constant 0 : i32
    %add3A_17 = arith.addi %mul3A_15, %add3A_16 : i32
    %mul3A_18 = arith.constant 512 : i32
    %mul3A_19 = arith.muli %add3A, %mul3A_18 : i32
    %add3A_20 = arith.constant 128 : i32
    %add3A_21 = arith.addi %mul3A_19, %add3A_20 : i32
    %mul3A_22 = arith.constant 512 : i32
    %mul3A_23 = arith.muli %add3A, %mul3A_22 : i32
    %add3A_24 = arith.constant 128 : i32
    %add3A_25 = arith.addi %mul3A_23, %add3A_24 : i32
    %mul3A_26 = arith.constant 512 : i32
    %mul3A_27 = arith.muli %add3A, %mul3A_26 : i32
    %add3A_28 = arith.constant 256 : i32
    %add3A_29 = arith.addi %mul3A_27, %add3A_28 : i32
    %mul3A_30 = arith.constant 512 : i32
    %mul3A_31 = arith.muli %add3A, %mul3A_30 : i32
    %add3A_32 = arith.constant 256 : i32
    %add3A_33 = arith.addi %mul3A_31, %add3A_32 : i32
    %mul3A_34 = arith.constant 512 : i32
    %mul3A_35 = arith.muli %add3A, %mul3A_34 : i32
    %add3A_36 = arith.constant 384 : i32
    %add3A_37 = arith.addi %mul3A_35, %add3A_36 : i32
    %mul3A_38 = arith.constant 512 : i32
    %mul3A_39 = arith.muli %add3A, %mul3A_38 : i32
    %add3A_40 = arith.constant 384 : i32
    %add3A_41 = arith.addi %mul3A_39, %add3A_40 : i32
    %dma_wait3A = arith.constant 0 : i32
    %dma_wait3A_42 = tpu.memref_slice %arg2[%mul3A_2, %dma_wait3A] : memref<128x128xi32, #tpu.memory_space<hbm>> -> memref<4x128xi32, #tpu.memory_space<hbm>>
    %dma_wait3A_43 = arith.constant 0 : i32
    %dma_wait3A_44 = tpu.memref_slice %arg2[%mul3A_2, %dma_wait3A_43] : memref<128x128xi32, #tpu.memory_space<hbm>> -> memref<4x128xi32, #tpu.memory_space<hbm>>
    tpu.wait_dma2 semaphore(%arg12 : memref<!tpu.dma_semaphore, #tpu.memory_space<semaphore_mem>>) src(%dma_wait3A_44 : memref<4x128xi32, #tpu.memory_space<hbm>>) dst(%arg8 : memref<4x128xi32, #tpu.memory_space<vmem>>)
    %dma_start3A_45 = arith.constant 0 : i32
    %dma_start3A_46 = arith.constant 0 : i32
    %dma_start3A_47 = arith.constant 0 : i32
    %dma_start3A_48 = tpu.memref_slice %arg10[%dma_start3A_46, %dma_start3A_47] : memref<896x128xf32, #tpu.memory_space<vmem>> -> memref<128x128xf32, #tpu.memory_space<vmem>>
    %dma_start3A_49 = arith.constant 0 : i32
    %dma_start3A_50 = tpu.memref_slice %arg8[%dma_start3A_45, %dma_start3A_49] : memref<4x128xi32, #tpu.memory_space<vmem>> -> memref<1x128xi32, #tpu.memory_space<vmem>>
    %dma_start3A_51 = tpu.memref_squeeze %dma_start3A_50 : memref<1x128xi32, #tpu.memory_space<vmem>> -> memref<128xi32, #tpu.memory_space<vmem>>
    %dma_start3A_52 = arith.constant 0 : i32
    %dma_start3A_53 = arith.constant 0 : i32
    %dma_start3A_54 = tpu.memref_slice %arg4[%dma_start3A_52, %dma_start3A_53] : memref<100000x128xf32, #tpu.memory_space<hbm>> -> memref<100000x128xf32, #tpu.memory_space<hbm>>
    tpu.enqueue_indirect_dma source(%dma_start3A_54 : memref<100000x128xf32, #tpu.memory_space<hbm>>) target(%dma_start3A_48 : memref<128x128xf32, #tpu.memory_space<vmem>>) offsets(%dma_start3A_51 : memref<128xi32, #tpu.memory_space<vmem>>) semaphore(%arg11 : memref<!tpu.dma_semaphore, #tpu.memory_space<semaphore_mem>>)
    %dma_wait3A_55 = arith.constant 0 : i32
    %dma_wait3A_56 = tpu.memref_slice %arg3[%mul3A_2, %dma_wait3A_55] : memref<128x128xi32, #tpu.memory_space<hbm>> -> memref<4x128xi32, #tpu.memory_space<hbm>>
    %dma_wait3A_57 = arith.constant 0 : i32
    %dma_wait3A_58 = tpu.memref_slice %arg3[%mul3A_2, %dma_wait3A_57] : memref<128x128xi32, #tpu.memory_space<hbm>> -> memref<4x128xi32, #tpu.memory_space<hbm>>
    tpu.wait_dma2 semaphore(%arg12 : memref<!tpu.dma_semaphore, #tpu.memory_space<semaphore_mem>>) src(%dma_wait3A_58 : memref<4x128xi32, #tpu.memory_space<hbm>>) dst(%arg9 : memref<4x128xi32, #tpu.memory_space<vmem>>)
    %dma_start3A_59 = arith.constant 0 : i32
    %dma_start3A_60 = arith.constant 128 : i32
    %dma_start3A_61 = arith.constant 0 : i32
    %dma_start3A_62 = tpu.memref_slice %arg10[%dma_start3A_60, %dma_start3A_61] : memref<896x128xf32, #tpu.memory_space<vmem>> -> memref<128x128xf32, #tpu.memory_space<vmem>>
    %dma_start3A_63 = arith.constant 0 : i32
    %dma_start3A_64 = tpu.memref_slice %arg9[%dma_start3A_59, %dma_start3A_63] : memref<4x128xi32, #tpu.memory_space<vmem>> -> memref<1x128xi32, #tpu.memory_space<vmem>>
    %dma_start3A_65 = tpu.memref_squeeze %dma_start3A_64 : memref<1x128xi32, #tpu.memory_space<vmem>> -> memref<128xi32, #tpu.memory_space<vmem>>
    %dma_start3A_66 = arith.constant 0 : i32
    %dma_start3A_67 = arith.constant 0 : i32
    %dma_start3A_68 = tpu.memref_slice %arg5[%dma_start3A_66, %dma_start3A_67] : memref<100000x128xf32, #tpu.memory_space<hbm>> -> memref<100000x128xf32, #tpu.memory_space<hbm>>
    tpu.enqueue_indirect_dma source(%dma_start3A_68 : memref<100000x128xf32, #tpu.memory_space<hbm>>) target(%dma_start3A_62 : memref<128x128xf32, #tpu.memory_space<vmem>>) offsets(%dma_start3A_65 : memref<128xi32, #tpu.memory_space<vmem>>) semaphore(%arg11 : memref<!tpu.dma_semaphore, #tpu.memory_space<semaphore_mem>>)
    %dma_wait3A_69 = arith.constant 0 : i32
    %dma_wait3A_70 = arith.constant 0 : i32
    %dma_wait3A_71 = arith.constant 0 : i32
    %dma_wait3A_72 = tpu.memref_slice %arg10[%dma_wait3A_70, %dma_wait3A_71] : memref<896x128xf32, #tpu.memory_space<vmem>> -> memref<128x128xf32, #tpu.memory_space<vmem>>
    %dma_wait3A_73 = arith.constant 0 : i32
    %dma_wait3A_74 = tpu.memref_slice %arg8[%dma_wait3A_69, %dma_wait3A_73] : memref<4x128xi32, #tpu.memory_space<vmem>> -> memref<1x128xi32, #tpu.memory_space<vmem>>
    %dma_wait3A_75 = tpu.memref_squeeze %dma_wait3A_74 : memref<1x128xi32, #tpu.memory_space<vmem>> -> memref<128xi32, #tpu.memory_space<vmem>>
    %dma_wait3A_76 = arith.constant 0 : i32
    %dma_wait3A_77 = arith.constant 0 : i32
    %dma_wait3A_78 = tpu.memref_slice %arg4[%dma_wait3A_76, %dma_wait3A_77] : memref<100000x128xf32, #tpu.memory_space<hbm>> -> memref<100000x128xf32, #tpu.memory_space<hbm>>
    tpu.wait_indirect_dma semaphore(%arg11 : memref<!tpu.dma_semaphore, #tpu.memory_space<semaphore_mem>>) src(%dma_wait3A_78 : memref<100000x128xf32, #tpu.memory_space<hbm>>) dst(%dma_wait3A_72 : memref<128x128xf32, #tpu.memory_space<vmem>>)
    %dma_start3A_79 = arith.constant 0 : i32
    %dma_start3A_80 = arith.constant 0 : i32
    %dma_start3A_81 = tpu.memref_slice %arg10[%dma_start3A_79, %dma_start3A_80] : memref<896x128xf32, #tpu.memory_space<vmem>> -> memref<128x128xf32, #tpu.memory_space<vmem>>
    %dma_start3A_82 = arith.constant 0 : i32
    %dma_start3A_83 = tpu.memref_slice %arg6[%add3A_13, %dma_start3A_82] : memref<16384x128xf32, #tpu.memory_space<hbm>> -> memref<128x128xf32, #tpu.memory_space<hbm>>
    %dma_start3A_84 = arith.constant 0 : i32
    %dma_start3A_85 = tpu.memref_slice %arg6[%add3A_13, %dma_start3A_84] : memref<16384x128xf32, #tpu.memory_space<hbm>> -> memref<128x128xf32, #tpu.memory_space<hbm>>
    %dma_start3A_86 = arith.constant 0 : i32
    %dma_start3A_87 = arith.constant 0 : i32
    %dma_start3A_88 = tpu.memref_slice %arg10[%dma_start3A_86, %dma_start3A_87] : memref<896x128xf32, #tpu.memory_space<vmem>> -> memref<128x128xf32, #tpu.memory_space<vmem>>
    tpu.enqueue_dma source(%dma_start3A_88 : memref<128x128xf32, #tpu.memory_space<vmem>>) target(%dma_start3A_85 : memref<128x128xf32, #tpu.memory_space<hbm>>) target_semaphore(%arg12 : memref<!tpu.dma_semaphore, #tpu.memory_space<semaphore_mem>>)
    %dma_start3A_89 = arith.constant 1 : i32
    %dma_start3A_90 = arith.constant 256 : i32
    %dma_start3A_91 = arith.constant 0 : i32
    %dma_start3A_92 = tpu.memref_slice %arg10[%dma_start3A_90, %dma_start3A_91] : memref<896x128xf32, #tpu.memory_space<vmem>> -> memref<128x128xf32, #tpu.memory_space<vmem>>
    %dma_start3A_93 = arith.constant 0 : i32
    %dma_start3A_94 = tpu.memref_slice %arg8[%dma_start3A_89, %dma_start3A_93] : memref<4x128xi32, #tpu.memory_space<vmem>> -> memref<1x128xi32, #tpu.memory_space<vmem>>
    %dma_start3A_95 = tpu.memref_squeeze %dma_start3A_94 : memref<1x128xi32, #tpu.memory_space<vmem>> -> memref<128xi32, #tpu.memory_space<vmem>>
    %dma_start3A_96 = arith.constant 0 : i32
    %dma_start3A_97 = arith.constant 0 : i32
    %dma_start3A_98 = tpu.memref_slice %arg4[%dma_start3A_96, %dma_start3A_97] : memref<100000x128xf32, #tpu.memory_space<hbm>> -> memref<100000x128xf32, #tpu.memory_space<hbm>>
    tpu.enqueue_indirect_dma source(%dma_start3A_98 : memref<100000x128xf32, #tpu.memory_space<hbm>>) target(%dma_start3A_92 : memref<128x128xf32, #tpu.memory_space<vmem>>) offsets(%dma_start3A_95 : memref<128xi32, #tpu.memory_space<vmem>>) semaphore(%arg11 : memref<!tpu.dma_semaphore, #tpu.memory_space<semaphore_mem>>)
    %dma_wait3A_99 = arith.constant 0 : i32
    %dma_wait3A_100 = arith.constant 128 : i32
    %dma_wait3A_101 = arith.constant 0 : i32
    %dma_wait3A_102 = tpu.memref_slice %arg10[%dma_wait3A_100, %dma_wait3A_101] : memref<896x128xf32, #tpu.memory_space<vmem>> -> memref<128x128xf32, #tpu.memory_space<vmem>>
    %dma_wait3A_103 = arith.constant 0 : i32
    %dma_wait3A_104 = tpu.memref_slice %arg9[%dma_wait3A_99, %dma_wait3A_103] : memref<4x128xi32, #tpu.memory_space<vmem>> -> memref<1x128xi32, #tpu.memory_space<vmem>>
    %dma_wait3A_105 = tpu.memref_squeeze %dma_wait3A_104 : memref<1x128xi32, #tpu.memory_space<vmem>> -> memref<128xi32, #tpu.memory_space<vmem>>
    %dma_wait3A_106 = arith.constant 0 : i32
    %dma_wait3A_107 = arith.constant 0 : i32
    %dma_wait3A_108 = tpu.memref_slice %arg5[%dma_wait3A_106, %dma_wait3A_107] : memref<100000x128xf32, #tpu.memory_space<hbm>> -> memref<100000x128xf32, #tpu.memory_space<hbm>>
    tpu.wait_indirect_dma semaphore(%arg11 : memref<!tpu.dma_semaphore, #tpu.memory_space<semaphore_mem>>) src(%dma_wait3A_108 : memref<100000x128xf32, #tpu.memory_space<hbm>>) dst(%dma_wait3A_102 : memref<128x128xf32, #tpu.memory_space<vmem>>)
    %dma_start3A_109 = arith.constant 128 : i32
    %dma_start3A_110 = arith.constant 0 : i32
    %dma_start3A_111 = tpu.memref_slice %arg10[%dma_start3A_109, %dma_start3A_110] : memref<896x128xf32, #tpu.memory_space<vmem>> -> memref<128x128xf32, #tpu.memory_space<vmem>>
    %dma_start3A_112 = arith.constant 0 : i32
    %dma_start3A_113 = tpu.memref_slice %arg7[%add3A_17, %dma_start3A_112] : memref<16384x128xf32, #tpu.memory_space<hbm>> -> memref<128x128xf32, #tpu.memory_space<hbm>>
    %dma_start3A_114 = arith.constant 0 : i32
    %dma_start3A_115 = tpu.memref_slice %arg7[%add3A_17, %dma_start3A_114] : memref<16384x128xf32, #tpu.memory_space<hbm>> -> memref<128x128xf32, #tpu.memory_space<hbm>>
    %dma_start3A_116 = arith.constant 128 : i32
    %dma_start3A_117 = arith.constant 0 : i32
    %dma_start3A_118 = tpu.memref_slice %arg10[%dma_start3A_116, %dma_start3A_117] : memref<896x128xf32, #tpu.memory_space<vmem>> -> memref<128x128xf32, #tpu.memory_space<vmem>>
    tpu.enqueue_dma source(%dma_start3A_118 : memref<128x128xf32, #tpu.memory_space<vmem>>) target(%dma_start3A_115 : memref<128x128xf32, #tpu.memory_space<hbm>>) target_semaphore(%arg12 : memref<!tpu.dma_semaphore, #tpu.memory_space<semaphore_mem>>)
    %dma_start3A_119 = arith.constant 1 : i32
    %dma_start3A_120 = arith.constant 384 : i32
    %dma_start3A_121 = arith.constant 0 : i32
    %dma_start3A_122 = tpu.memref_slice %arg10[%dma_start3A_120, %dma_start3A_121] : memref<896x128xf32, #tpu.memory_space<vmem>> -> memref<128x128xf32, #tpu.memory_space<vmem>>
    %dma_start3A_123 = arith.constant 0 : i32
    %dma_start3A_124 = tpu.memref_slice %arg9[%dma_start3A_119, %dma_start3A_123] : memref<4x128xi32, #tpu.memory_space<vmem>> -> memref<1x128xi32, #tpu.memory_space<vmem>>
    %dma_start3A_125 = tpu.memref_squeeze %dma_start3A_124 : memref<1x128xi32, #tpu.memory_space<vmem>> -> memref<128xi32, #tpu.memory_space<vmem>>
    %dma_start3A_126 = arith.constant 0 : i32
    %dma_start3A_127 = arith.constant 0 : i32
    %dma_start3A_128 = tpu.memref_slice %arg5[%dma_start3A_126, %dma_start3A_127] : memref<100000x128xf32, #tpu.memory_space<hbm>> -> memref<100000x128xf32, #tpu.memory_space<hbm>>
    tpu.enqueue_indirect_dma source(%dma_start3A_128 : memref<100000x128xf32, #tpu.memory_space<hbm>>) target(%dma_start3A_122 : memref<128x128xf32, #tpu.memory_space<vmem>>) offsets(%dma_start3A_125 : memref<128xi32, #tpu.memory_space<vmem>>) semaphore(%arg11 : memref<!tpu.dma_semaphore, #tpu.memory_space<semaphore_mem>>)
    %dma_wait3A_129 = arith.constant 1 : i32
    %dma_wait3A_130 = arith.constant 256 : i32
    %dma_wait3A_131 = arith.constant 0 : i32
    %dma_wait3A_132 = tpu.memref_slice %arg10[%dma_wait3A_130, %dma_wait3A_131] : memref<896x128xf32, #tpu.memory_space<vmem>> -> memref<128x128xf32, #tpu.memory_space<vmem>>
    %dma_wait3A_133 = arith.constant 0 : i32
    %dma_wait3A_134 = tpu.memref_slice %arg8[%dma_wait3A_129, %dma_wait3A_133] : memref<4x128xi32, #tpu.memory_space<vmem>> -> memref<1x128xi32, #tpu.memory_space<vmem>>
    %dma_wait3A_135 = tpu.memref_squeeze %dma_wait3A_134 : memref<1x128xi32, #tpu.memory_space<vmem>> -> memref<128xi32, #tpu.memory_space<vmem>>
    %dma_wait3A_136 = arith.constant 0 : i32
    %dma_wait3A_137 = arith.constant 0 : i32
    %dma_wait3A_138 = tpu.memref_slice %arg4[%dma_wait3A_136, %dma_wait3A_137] : memref<100000x128xf32, #tpu.memory_space<hbm>> -> memref<100000x128xf32, #tpu.memory_space<hbm>>
    tpu.wait_indirect_dma semaphore(%arg11 : memref<!tpu.dma_semaphore, #tpu.memory_space<semaphore_mem>>) src(%dma_wait3A_138 : memref<100000x128xf32, #tpu.memory_space<hbm>>) dst(%dma_wait3A_132 : memref<128x128xf32, #tpu.memory_space<vmem>>)
    %dma_start3A_139 = arith.constant 256 : i32
    %dma_start3A_140 = arith.constant 0 : i32
    %dma_start3A_141 = tpu.memref_slice %arg10[%dma_start3A_139, %dma_start3A_140] : memref<896x128xf32, #tpu.memory_space<vmem>> -> memref<128x128xf32, #tpu.memory_space<vmem>>
    %dma_start3A_142 = arith.constant 0 : i32
    %dma_start3A_143 = tpu.memref_slice %arg6[%add3A_21, %dma_start3A_142] : memref<16384x128xf32, #tpu.memory_space<hbm>> -> memref<128x128xf32, #tpu.memory_space<hbm>>
    %dma_start3A_144 = arith.constant 0 : i32
    %dma_start3A_145 = tpu.memref_slice %arg6[%add3A_21, %dma_start3A_144] : memref<16384x128xf32, #tpu.memory_space<hbm>> -> memref<128x128xf32, #tpu.memory_space<hbm>>
    %dma_start3A_146 = arith.constant 256 : i32
    %dma_start3A_147 = arith.constant 0 : i32
    %dma_start3A_148 = tpu.memref_slice %arg10[%dma_start3A_146, %dma_start3A_147] : memref<896x128xf32, #tpu.memory_space<vmem>> -> memref<128x128xf32, #tpu.memory_space<vmem>>
    tpu.enqueue_dma source(%dma_start3A_148 : memref<128x128xf32, #tpu.memory_space<vmem>>) target(%dma_start3A_145 : memref<128x128xf32, #tpu.memory_space<hbm>>) target_semaphore(%arg12 : memref<!tpu.dma_semaphore, #tpu.memory_space<semaphore_mem>>)
    %dma_start3A_149 = arith.constant 2 : i32
    %dma_start3A_150 = arith.constant 512 : i32
    %dma_start3A_151 = arith.constant 0 : i32
    %dma_start3A_152 = tpu.memref_slice %arg10[%dma_start3A_150, %dma_start3A_151] : memref<896x128xf32, #tpu.memory_space<vmem>> -> memref<128x128xf32, #tpu.memory_space<vmem>>
    %dma_start3A_153 = arith.constant 0 : i32
    %dma_start3A_154 = tpu.memref_slice %arg8[%dma_start3A_149, %dma_start3A_153] : memref<4x128xi32, #tpu.memory_space<vmem>> -> memref<1x128xi32, #tpu.memory_space<vmem>>
    %dma_start3A_155 = tpu.memref_squeeze %dma_start3A_154 : memref<1x128xi32, #tpu.memory_space<vmem>> -> memref<128xi32, #tpu.memory_space<vmem>>
    %dma_start3A_156 = arith.constant 0 : i32
    %dma_start3A_157 = arith.constant 0 : i32
    %dma_start3A_158 = tpu.memref_slice %arg4[%dma_start3A_156, %dma_start3A_157] : memref<100000x128xf32, #tpu.memory_space<hbm>> -> memref<100000x128xf32, #tpu.memory_space<hbm>>
    tpu.enqueue_indirect_dma source(%dma_start3A_158 : memref<100000x128xf32, #tpu.memory_space<hbm>>) target(%dma_start3A_152 : memref<128x128xf32, #tpu.memory_space<vmem>>) offsets(%dma_start3A_155 : memref<128xi32, #tpu.memory_space<vmem>>) semaphore(%arg11 : memref<!tpu.dma_semaphore, #tpu.memory_space<semaphore_mem>>)
    %dma_wait3A_159 = arith.constant 1 : i32
    %dma_wait3A_160 = arith.constant 384 : i32
    %dma_wait3A_161 = arith.constant 0 : i32
    %dma_wait3A_162 = tpu.memref_slice %arg10[%dma_wait3A_160, %dma_wait3A_161] : memref<896x128xf32, #tpu.memory_space<vmem>> -> memref<128x128xf32, #tpu.memory_space<vmem>>
    %dma_wait3A_163 = arith.constant 0 : i32
    %dma_wait3A_164 = tpu.memref_slice %arg9[%dma_wait3A_159, %dma_wait3A_163] : memref<4x128xi32, #tpu.memory_space<vmem>> -> memref<1x128xi32, #tpu.memory_space<vmem>>
    %dma_wait3A_165 = tpu.memref_squeeze %dma_wait3A_164 : memref<1x128xi32, #tpu.memory_space<vmem>> -> memref<128xi32, #tpu.memory_space<vmem>>
    %dma_wait3A_166 = arith.constant 0 : i32
    %dma_wait3A_167 = arith.constant 0 : i32
    %dma_wait3A_168 = tpu.memref_slice %arg5[%dma_wait3A_166, %dma_wait3A_167] : memref<100000x128xf32, #tpu.memory_space<hbm>> -> memref<100000x128xf32, #tpu.memory_space<hbm>>
    tpu.wait_indirect_dma semaphore(%arg11 : memref<!tpu.dma_semaphore, #tpu.memory_space<semaphore_mem>>) src(%dma_wait3A_168 : memref<100000x128xf32, #tpu.memory_space<hbm>>) dst(%dma_wait3A_162 : memref<128x128xf32, #tpu.memory_space<vmem>>)
    %dma_start3A_169 = arith.constant 384 : i32
    %dma_start3A_170 = arith.constant 0 : i32
    %dma_start3A_171 = tpu.memref_slice %arg10[%dma_start3A_169, %dma_start3A_170] : memref<896x128xf32, #tpu.memory_space<vmem>> -> memref<128x128xf32, #tpu.memory_space<vmem>>
    %dma_start3A_172 = arith.constant 0 : i32
    %dma_start3A_173 = tpu.memref_slice %arg7[%add3A_25, %dma_start3A_172] : memref<16384x128xf32, #tpu.memory_space<hbm>> -> memref<128x128xf32, #tpu.memory_space<hbm>>
    %dma_start3A_174 = arith.constant 0 : i32
    %dma_start3A_175 = tpu.memref_slice %arg7[%add3A_25, %dma_start3A_174] : memref<16384x128xf32, #tpu.memory_space<hbm>> -> memref<128x128xf32, #tpu.memory_space<hbm>>
    %dma_start3A_176 = arith.constant 384 : i32
    %dma_start3A_177 = arith.constant 0 : i32
    %dma_start3A_178 = tpu.memref_slice %arg10[%dma_start3A_176, %dma_start3A_177] : memref<896x128xf32, #tpu.memory_space<vmem>> -> memref<128x128xf32, #tpu.memory_space<vmem>>
    tpu.enqueue_dma source(%dma_start3A_178 : memref<128x128xf32, #tpu.memory_space<vmem>>) target(%dma_start3A_175 : memref<128x128xf32, #tpu.memory_space<hbm>>) target_semaphore(%arg12 : memref<!tpu.dma_semaphore, #tpu.memory_space<semaphore_mem>>)
    %dma_start3A_179 = arith.constant 2 : i32
    %dma_start3A_180 = arith.constant 640 : i32
    %dma_start3A_181 = arith.constant 0 : i32
    %dma_start3A_182 = tpu.memref_slice %arg10[%dma_start3A_180, %dma_start3A_181] : memref<896x128xf32, #tpu.memory_space<vmem>> -> memref<128x128xf32, #tpu.memory_space<vmem>>
    %dma_start3A_183 = arith.constant 0 : i32
    %dma_start3A_184 = tpu.memref_slice %arg9[%dma_start3A_179, %dma_start3A_183] : memref<4x128xi32, #tpu.memory_space<vmem>> -> memref<1x128xi32, #tpu.memory_space<vmem>>
    %dma_start3A_185 = tpu.memref_squeeze %dma_start3A_184 : memref<1x128xi32, #tpu.memory_space<vmem>> -> memref<128xi32, #tpu.memory_space<vmem>>
    %dma_start3A_186 = arith.constant 0 : i32
    %dma_start3A_187 = arith.constant 0 : i32
    %dma_start3A_188 = tpu.memref_slice %arg5[%dma_start3A_186, %dma_start3A_187] : memref<100000x128xf32, #tpu.memory_space<hbm>> -> memref<100000x128xf32, #tpu.memory_space<hbm>>
    tpu.enqueue_indirect_dma source(%dma_start3A_188 : memref<100000x128xf32, #tpu.memory_space<hbm>>) target(%dma_start3A_182 : memref<128x128xf32, #tpu.memory_space<vmem>>) offsets(%dma_start3A_185 : memref<128xi32, #tpu.memory_space<vmem>>) semaphore(%arg11 : memref<!tpu.dma_semaphore, #tpu.memory_space<semaphore_mem>>)
    %dma_wait3A_189 = arith.constant 2 : i32
    %dma_wait3A_190 = arith.constant 512 : i32
    %dma_wait3A_191 = arith.constant 0 : i32
    %dma_wait3A_192 = tpu.memref_slice %arg10[%dma_wait3A_190, %dma_wait3A_191] : memref<896x128xf32, #tpu.memory_space<vmem>> -> memref<128x128xf32, #tpu.memory_space<vmem>>
    %dma_wait3A_193 = arith.constant 0 : i32
    %dma_wait3A_194 = tpu.memref_slice %arg8[%dma_wait3A_189, %dma_wait3A_193] : memref<4x128xi32, #tpu.memory_space<vmem>> -> memref<1x128xi32, #tpu.memory_space<vmem>>
    %dma_wait3A_195 = tpu.memref_squeeze %dma_wait3A_194 : memref<1x128xi32, #tpu.memory_space<vmem>> -> memref<128xi32, #tpu.memory_space<vmem>>
    %dma_wait3A_196 = arith.constant 0 : i32
    %dma_wait3A_197 = arith.constant 0 : i32
    %dma_wait3A_198 = tpu.memref_slice %arg4[%dma_wait3A_196, %dma_wait3A_197] : memref<100000x128xf32, #tpu.memory_space<hbm>> -> memref<100000x128xf32, #tpu.memory_space<hbm>>
    tpu.wait_indirect_dma semaphore(%arg11 : memref<!tpu.dma_semaphore, #tpu.memory_space<semaphore_mem>>) src(%dma_wait3A_198 : memref<100000x128xf32, #tpu.memory_space<hbm>>) dst(%dma_wait3A_192 : memref<128x128xf32, #tpu.memory_space<vmem>>)
    %dma_start3A_199 = arith.constant 512 : i32
    %dma_start3A_200 = arith.constant 0 : i32
    %dma_start3A_201 = tpu.memref_slice %arg10[%dma_start3A_199, %dma_start3A_200] : memref<896x128xf32, #tpu.memory_space<vmem>> -> memref<128x128xf32, #tpu.memory_space<vmem>>
    %dma_start3A_202 = arith.constant 0 : i32
    %dma_start3A_203 = tpu.memref_slice %arg6[%add3A_29, %dma_start3A_202] : memref<16384x128xf32, #tpu.memory_space<hbm>> -> memref<128x128xf32, #tpu.memory_space<hbm>>
    %dma_start3A_204 = arith.constant 0 : i32
    %dma_start3A_205 = tpu.memref_slice %arg6[%add3A_29, %dma_start3A_204] : memref<16384x128xf32, #tpu.memory_space<hbm>> -> memref<128x128xf32, #tpu.memory_space<hbm>>
    %dma_start3A_206 = arith.constant 512 : i32
    %dma_start3A_207 = arith.constant 0 : i32
    %dma_start3A_208 = tpu.memref_slice %arg10[%dma_start3A_206, %dma_start3A_207] : memref<896x128xf32, #tpu.memory_space<vmem>> -> memref<128x128xf32, #tpu.memory_space<vmem>>
    tpu.enqueue_dma source(%dma_start3A_208 : memref<128x128xf32, #tpu.memory_space<vmem>>) target(%dma_start3A_205 : memref<128x128xf32, #tpu.memory_space<hbm>>) target_semaphore(%arg12 : memref<!tpu.dma_semaphore, #tpu.memory_space<semaphore_mem>>)
    %dma_start3A_209 = arith.constant 3 : i32
    %dma_start3A_210 = arith.constant 768 : i32
    %dma_start3A_211 = arith.constant 0 : i32
    %dma_start3A_212 = tpu.memref_slice %arg10[%dma_start3A_210, %dma_start3A_211] : memref<896x128xf32, #tpu.memory_space<vmem>> -> memref<128x128xf32, #tpu.memory_space<vmem>>
    %dma_start3A_213 = arith.constant 0 : i32
    %dma_start3A_214 = tpu.memref_slice %arg8[%dma_start3A_209, %dma_start3A_213] : memref<4x128xi32, #tpu.memory_space<vmem>> -> memref<1x128xi32, #tpu.memory_space<vmem>>
    %dma_start3A_215 = tpu.memref_squeeze %dma_start3A_214 : memref<1x128xi32, #tpu.memory_space<vmem>> -> memref<128xi32, #tpu.memory_space<vmem>>
    %dma_start3A_216 = arith.constant 0 : i32
    %dma_start3A_217 = arith.constant 0 : i32
    %dma_start3A_218 = tpu.memref_slice %arg4[%dma_start3A_216, %dma_start3A_217] : memref<100000x128xf32, #tpu.memory_space<hbm>> -> memref<100000x128xf32, #tpu.memory_space<hbm>>
    tpu.enqueue_indirect_dma source(%dma_start3A_218 : memref<100000x128xf32, #tpu.memory_space<hbm>>) target(%dma_start3A_212 : memref<128x128xf32, #tpu.memory_space<vmem>>) offsets(%dma_start3A_215 : memref<128xi32, #tpu.memory_space<vmem>>) semaphore(%arg11 : memref<!tpu.dma_semaphore, #tpu.memory_space<semaphore_mem>>)
    %dma_wait3A_219 = arith.constant 2 : i32
    %dma_wait3A_220 = arith.constant 640 : i32
    %dma_wait3A_221 = arith.constant 0 : i32
    %dma_wait3A_222 = tpu.memref_slice %arg10[%dma_wait3A_220, %dma_wait3A_221] : memref<896x128xf32, #tpu.memory_space<vmem>> -> memref<128x128xf32, #tpu.memory_space<vmem>>
    %dma_wait3A_223 = arith.constant 0 : i32
    %dma_wait3A_224 = tpu.memref_slice %arg9[%dma_wait3A_219, %dma_wait3A_223] : memref<4x128xi32, #tpu.memory_space<vmem>> -> memref<1x128xi32, #tpu.memory_space<vmem>>
    %dma_wait3A_225 = tpu.memref_squeeze %dma_wait3A_224 : memref<1x128xi32, #tpu.memory_space<vmem>> -> memref<128xi32, #tpu.memory_space<vmem>>
    %dma_wait3A_226 = arith.constant 0 : i32
    %dma_wait3A_227 = arith.constant 0 : i32
    %dma_wait3A_228 = tpu.memref_slice %arg5[%dma_wait3A_226, %dma_wait3A_227] : memref<100000x128xf32, #tpu.memory_space<hbm>> -> memref<100000x128xf32, #tpu.memory_space<hbm>>
    tpu.wait_indirect_dma semaphore(%arg11 : memref<!tpu.dma_semaphore, #tpu.memory_space<semaphore_mem>>) src(%dma_wait3A_228 : memref<100000x128xf32, #tpu.memory_space<hbm>>) dst(%dma_wait3A_222 : memref<128x128xf32, #tpu.memory_space<vmem>>)
    %dma_start3A_229 = arith.constant 640 : i32
    %dma_start3A_230 = arith.constant 0 : i32
    %dma_start3A_231 = tpu.memref_slice %arg10[%dma_start3A_229, %dma_start3A_230] : memref<896x128xf32, #tpu.memory_space<vmem>> -> memref<128x128xf32, #tpu.memory_space<vmem>>
    %dma_start3A_232 = arith.constant 0 : i32
    %dma_start3A_233 = tpu.memref_slice %arg7[%add3A_33, %dma_start3A_232] : memref<16384x128xf32, #tpu.memory_space<hbm>> -> memref<128x128xf32, #tpu.memory_space<hbm>>
    %dma_start3A_234 = arith.constant 0 : i32
    %dma_start3A_235 = tpu.memref_slice %arg7[%add3A_33, %dma_start3A_234] : memref<16384x128xf32, #tpu.memory_space<hbm>> -> memref<128x128xf32, #tpu.memory_space<hbm>>
    %dma_start3A_236 = arith.constant 640 : i32
    %dma_start3A_237 = arith.constant 0 : i32
    %dma_start3A_238 = tpu.memref_slice %arg10[%dma_start3A_236, %dma_start3A_237] : memref<896x128xf32, #tpu.memory_space<vmem>> -> memref<128x128xf32, #tpu.memory_space<vmem>>
    tpu.enqueue_dma source(%dma_start3A_238 : memref<128x128xf32, #tpu.memory_space<vmem>>) target(%dma_start3A_235 : memref<128x128xf32, #tpu.memory_space<hbm>>) target_semaphore(%arg12 : memref<!tpu.dma_semaphore, #tpu.memory_space<semaphore_mem>>)
    %dma_wait3A_239 = arith.constant 0 : i32
    %dma_wait3A_240 = arith.constant 0 : i32
    %dma_wait3A_241 = tpu.memref_slice %arg10[%dma_wait3A_239, %dma_wait3A_240] : memref<896x128xf32, #tpu.memory_space<vmem>> -> memref<128x128xf32, #tpu.memory_space<vmem>>
    %dma_wait3A_242 = arith.constant 0 : i32
    %dma_wait3A_243 = tpu.memref_slice %arg6[%add3A_13, %dma_wait3A_242] : memref<16384x128xf32, #tpu.memory_space<hbm>> -> memref<128x128xf32, #tpu.memory_space<hbm>>
    %dma_wait3A_244 = arith.constant 0 : i32
    %dma_wait3A_245 = tpu.memref_slice %arg6[%add3A_13, %dma_wait3A_244] : memref<16384x128xf32, #tpu.memory_space<hbm>> -> memref<128x128xf32, #tpu.memory_space<hbm>>
    %dma_wait3A_246 = arith.constant 0 : i32
    %dma_wait3A_247 = arith.constant 0 : i32
    %dma_wait3A_248 = tpu.memref_slice %arg10[%dma_wait3A_246, %dma_wait3A_247] : memref<896x128xf32, #tpu.memory_space<vmem>> -> memref<128x128xf32, #tpu.memory_space<vmem>>
    tpu.wait_dma2 semaphore(%arg12 : memref<!tpu.dma_semaphore, #tpu.memory_space<semaphore_mem>>) src(%dma_wait3A_248 : memref<128x128xf32, #tpu.memory_space<vmem>>) dst(%dma_wait3A_245 : memref<128x128xf32, #tpu.memory_space<hbm>>)
    %dma_start3A_249 = arith.constant 3 : i32
    %dma_start3A_250 = arith.constant 0 : i32
    %dma_start3A_251 = arith.constant 0 : i32
    %dma_start3A_252 = tpu.memref_slice %arg10[%dma_start3A_250, %dma_start3A_251] : memref<896x128xf32, #tpu.memory_space<vmem>> -> memref<128x128xf32, #tpu.memory_space<vmem>>
    %dma_start3A_253 = arith.constant 0 : i32
    %dma_start3A_254 = tpu.memref_slice %arg9[%dma_start3A_249, %dma_start3A_253] : memref<4x128xi32, #tpu.memory_space<vmem>> -> memref<1x128xi32, #tpu.memory_space<vmem>>
    %dma_start3A_255 = tpu.memref_squeeze %dma_start3A_254 : memref<1x128xi32, #tpu.memory_space<vmem>> -> memref<128xi32, #tpu.memory_space<vmem>>
    %dma_start3A_256 = arith.constant 0 : i32
    %dma_start3A_257 = arith.constant 0 : i32
    %dma_start3A_258 = tpu.memref_slice %arg5[%dma_start3A_256, %dma_start3A_257] : memref<100000x128xf32, #tpu.memory_space<hbm>> -> memref<100000x128xf32, #tpu.memory_space<hbm>>
    tpu.enqueue_indirect_dma source(%dma_start3A_258 : memref<100000x128xf32, #tpu.memory_space<hbm>>) target(%dma_start3A_252 : memref<128x128xf32, #tpu.memory_space<vmem>>) offsets(%dma_start3A_255 : memref<128xi32, #tpu.memory_space<vmem>>) semaphore(%arg11 : memref<!tpu.dma_semaphore, #tpu.memory_space<semaphore_mem>>)
    %dma_wait3A_259 = arith.constant 3 : i32
    %dma_wait3A_260 = arith.constant 768 : i32
    %dma_wait3A_261 = arith.constant 0 : i32
    %dma_wait3A_262 = tpu.memref_slice %arg10[%dma_wait3A_260, %dma_wait3A_261] : memref<896x128xf32, #tpu.memory_space<vmem>> -> memref<128x128xf32, #tpu.memory_space<vmem>>
    %dma_wait3A_263 = arith.constant 0 : i32
    %dma_wait3A_264 = tpu.memref_slice %arg8[%dma_wait3A_259, %dma_wait3A_263] : memref<4x128xi32, #tpu.memory_space<vmem>> -> memref<1x128xi32, #tpu.memory_space<vmem>>
    %dma_wait3A_265 = tpu.memref_squeeze %dma_wait3A_264 : memref<1x128xi32, #tpu.memory_space<vmem>> -> memref<128xi32, #tpu.memory_space<vmem>>
    %dma_wait3A_266 = arith.constant 0 : i32
    %dma_wait3A_267 = arith.constant 0 : i32
    %dma_wait3A_268 = tpu.memref_slice %arg4[%dma_wait3A_266, %dma_wait3A_267] : memref<100000x128xf32, #tpu.memory_space<hbm>> -> memref<100000x128xf32, #tpu.memory_space<hbm>>
    tpu.wait_indirect_dma semaphore(%arg11 : memref<!tpu.dma_semaphore, #tpu.memory_space<semaphore_mem>>) src(%dma_wait3A_268 : memref<100000x128xf32, #tpu.memory_space<hbm>>) dst(%dma_wait3A_262 : memref<128x128xf32, #tpu.memory_space<vmem>>)
    %dma_start3A_269 = arith.constant 768 : i32
    %dma_start3A_270 = arith.constant 0 : i32
    %dma_start3A_271 = tpu.memref_slice %arg10[%dma_start3A_269, %dma_start3A_270] : memref<896x128xf32, #tpu.memory_space<vmem>> -> memref<128x128xf32, #tpu.memory_space<vmem>>
    %dma_start3A_272 = arith.constant 0 : i32
    %dma_start3A_273 = tpu.memref_slice %arg6[%add3A_37, %dma_start3A_272] : memref<16384x128xf32, #tpu.memory_space<hbm>> -> memref<128x128xf32, #tpu.memory_space<hbm>>
    %dma_start3A_274 = arith.constant 0 : i32
    %dma_start3A_275 = tpu.memref_slice %arg6[%add3A_37, %dma_start3A_274] : memref<16384x128xf32, #tpu.memory_space<hbm>> -> memref<128x128xf32, #tpu.memory_space<hbm>>
    %dma_start3A_276 = arith.constant 768 : i32
    %dma_start3A_277 = arith.constant 0 : i32
    %dma_start3A_278 = tpu.memref_slice %arg10[%dma_start3A_276, %dma_start3A_277] : memref<896x128xf32, #tpu.memory_space<vmem>> -> memref<128x128xf32, #tpu.memory_space<vmem>>
    tpu.enqueue_dma source(%dma_start3A_278 : memref<128x128xf32, #tpu.memory_space<vmem>>) target(%dma_start3A_275 : memref<128x128xf32, #tpu.memory_space<hbm>>) target_semaphore(%arg12 : memref<!tpu.dma_semaphore, #tpu.memory_space<semaphore_mem>>)
    %dma_wait3A_279 = arith.constant 3 : i32
    %dma_wait3A_280 = arith.constant 0 : i32
    %dma_wait3A_281 = arith.constant 0 : i32
    %dma_wait3A_282 = tpu.memref_slice %arg10[%dma_wait3A_280, %dma_wait3A_281] : memref<896x128xf32, #tpu.memory_space<vmem>> -> memref<128x128xf32, #tpu.memory_space<vmem>>
    %dma_wait3A_283 = arith.constant 0 : i32
    %dma_wait3A_284 = tpu.memref_slice %arg9[%dma_wait3A_279, %dma_wait3A_283] : memref<4x128xi32, #tpu.memory_space<vmem>> -> memref<1x128xi32, #tpu.memory_space<vmem>>
    %dma_wait3A_285 = tpu.memref_squeeze %dma_wait3A_284 : memref<1x128xi32, #tpu.memory_space<vmem>> -> memref<128xi32, #tpu.memory_space<vmem>>
    %dma_wait3A_286 = arith.constant 0 : i32
    %dma_wait3A_287 = arith.constant 0 : i32
    %dma_wait3A_288 = tpu.memref_slice %arg5[%dma_wait3A_286, %dma_wait3A_287] : memref<100000x128xf32, #tpu.memory_space<hbm>> -> memref<100000x128xf32, #tpu.memory_space<hbm>>
    tpu.wait_indirect_dma semaphore(%arg11 : memref<!tpu.dma_semaphore, #tpu.memory_space<semaphore_mem>>) src(%dma_wait3A_288 : memref<100000x128xf32, #tpu.memory_space<hbm>>) dst(%dma_wait3A_282 : memref<128x128xf32, #tpu.memory_space<vmem>>)
    %dma_start3A_289 = arith.constant 0 : i32
    %dma_start3A_290 = arith.constant 0 : i32
    %dma_start3A_291 = tpu.memref_slice %arg10[%dma_start3A_289, %dma_start3A_290] : memref<896x128xf32, #tpu.memory_space<vmem>> -> memref<128x128xf32, #tpu.memory_space<vmem>>
    %dma_start3A_292 = arith.constant 0 : i32
    %dma_start3A_293 = tpu.memref_slice %arg7[%add3A_41, %dma_start3A_292] : memref<16384x128xf32, #tpu.memory_space<hbm>> -> memref<128x128xf32, #tpu.memory_space<hbm>>
    %dma_start3A_294 = arith.constant 0 : i32
    %dma_start3A_295 = tpu.memref_slice %arg7[%add3A_41, %dma_start3A_294] : memref<16384x128xf32, #tpu.memory_space<hbm>> -> memref<128x128xf32, #tpu.memory_space<hbm>>
    %dma_start3A_296 = arith.constant 0 : i32
    %dma_start3A_297 = arith.constant 0 : i32
    %dma_start3A_298 = tpu.memref_slice %arg10[%dma_start3A_296, %dma_start3A_297] : memref<896x128xf32, #tpu.memory_space<vmem>> -> memref<128x128xf32, #tpu.memory_space<vmem>>
    tpu.enqueue_dma source(%dma_start3A_298 : memref<128x128xf32, #tpu.memory_space<vmem>>) target(%dma_start3A_295 : memref<128x128xf32, #tpu.memory_space<hbm>>) target_semaphore(%arg12 : memref<!tpu.dma_semaphore, #tpu.memory_space<semaphore_mem>>)
    %dma_wait3A_299 = arith.constant 128 : i32
    %dma_wait3A_300 = arith.constant 0 : i32
    %dma_wait3A_301 = tpu.memref_slice %arg10[%dma_wait3A_299, %dma_wait3A_300] : memref<896x128xf32, #tpu.memory_space<vmem>> -> memref<128x128xf32, #tpu.memory_space<vmem>>
    %dma_wait3A_302 = arith.constant 0 : i32
    %dma_wait3A_303 = tpu.memref_slice %arg7[%add3A_17, %dma_wait3A_302] : memref<16384x128xf32, #tpu.memory_space<hbm>> -> memref<128x128xf32, #tpu.memory_space<hbm>>
    %dma_wait3A_304 = arith.constant 0 : i32
    %dma_wait3A_305 = tpu.memref_slice %arg7[%add3A_17, %dma_wait3A_304] : memref<16384x128xf32, #tpu.memory_space<hbm>> -> memref<128x128xf32, #tpu.memory_space<hbm>>
    %dma_wait3A_306 = arith.constant 128 : i32
    %dma_wait3A_307 = arith.constant 0 : i32
    %dma_wait3A_308 = tpu.memref_slice %arg10[%dma_wait3A_306, %dma_wait3A_307] : memref<896x128xf32, #tpu.memory_space<vmem>> -> memref<128x128xf32, #tpu.memory_space<vmem>>
    tpu.wait_dma2 semaphore(%arg12 : memref<!tpu.dma_semaphore, #tpu.memory_space<semaphore_mem>>) src(%dma_wait3A_308 : memref<128x128xf32, #tpu.memory_space<vmem>>) dst(%dma_wait3A_305 : memref<128x128xf32, #tpu.memory_space<hbm>>)
    %dma_wait3A_309 = arith.constant 256 : i32
    %dma_wait3A_310 = arith.constant 0 : i32
    %dma_wait3A_311 = tpu.memref_slice %arg10[%dma_wait3A_309, %dma_wait3A_310] : memref<896x128xf32, #tpu.memory_space<vmem>> -> memref<128x128xf32, #tpu.memory_space<vmem>>
    %dma_wait3A_312 = arith.constant 0 : i32
    %dma_wait3A_313 = tpu.memref_slice %arg6[%add3A_21, %dma_wait3A_312] : memref<16384x128xf32, #tpu.memory_space<hbm>> -> memref<128x128xf32, #tpu.memory_space<hbm>>
    %dma_wait3A_314 = arith.constant 0 : i32
    %dma_wait3A_315 = tpu.memref_slice %arg6[%add3A_21, %dma_wait3A_314] : memref<16384x128xf32, #tpu.memory_space<hbm>> -> memref<128x128xf32, #tpu.memory_space<hbm>>
    %dma_wait3A_316 = arith.constant 256 : i32
    %dma_wait3A_317 = arith.constant 0 : i32
    %dma_wait3A_318 = tpu.memref_slice %arg10[%dma_wait3A_316, %dma_wait3A_317] : memref<896x128xf32, #tpu.memory_space<vmem>> -> memref<128x128xf32, #tpu.memory_space<vmem>>
    tpu.wait_dma2 semaphore(%arg12 : memref<!tpu.dma_semaphore, #tpu.memory_space<semaphore_mem>>) src(%dma_wait3A_318 : memref<128x128xf32, #tpu.memory_space<vmem>>) dst(%dma_wait3A_315 : memref<128x128xf32, #tpu.memory_space<hbm>>)
    %dma_wait3A_319 = arith.constant 384 : i32
    %dma_wait3A_320 = arith.constant 0 : i32
    %dma_wait3A_321 = tpu.memref_slice %arg10[%dma_wait3A_319, %dma_wait3A_320] : memref<896x128xf32, #tpu.memory_space<vmem>> -> memref<128x128xf32, #tpu.memory_space<vmem>>
    %dma_wait3A_322 = arith.constant 0 : i32
    %dma_wait3A_323 = tpu.memref_slice %arg7[%add3A_25, %dma_wait3A_322] : memref<16384x128xf32, #tpu.memory_space<hbm>> -> memref<128x128xf32, #tpu.memory_space<hbm>>
    %dma_wait3A_324 = arith.constant 0 : i32
    %dma_wait3A_325 = tpu.memref_slice %arg7[%add3A_25, %dma_wait3A_324] : memref<16384x128xf32, #tpu.memory_space<hbm>> -> memref<128x128xf32, #tpu.memory_space<hbm>>
    %dma_wait3A_326 = arith.constant 384 : i32
    %dma_wait3A_327 = arith.constant 0 : i32
    %dma_wait3A_328 = tpu.memref_slice %arg10[%dma_wait3A_326, %dma_wait3A_327] : memref<896x128xf32, #tpu.memory_space<vmem>> -> memref<128x128xf32, #tpu.memory_space<vmem>>
    tpu.wait_dma2 semaphore(%arg12 : memref<!tpu.dma_semaphore, #tpu.memory_space<semaphore_mem>>) src(%dma_wait3A_328 : memref<128x128xf32, #tpu.memory_space<vmem>>) dst(%dma_wait3A_325 : memref<128x128xf32, #tpu.memory_space<hbm>>)
    %dma_wait3A_329 = arith.constant 512 : i32
    %dma_wait3A_330 = arith.constant 0 : i32
    %dma_wait3A_331 = tpu.memref_slice %arg10[%dma_wait3A_329, %dma_wait3A_330] : memref<896x128xf32, #tpu.memory_space<vmem>> -> memref<128x128xf32, #tpu.memory_space<vmem>>
    %dma_wait3A_332 = arith.constant 0 : i32
    %dma_wait3A_333 = tpu.memref_slice %arg6[%add3A_29, %dma_wait3A_332] : memref<16384x128xf32, #tpu.memory_space<hbm>> -> memref<128x128xf32, #tpu.memory_space<hbm>>
    %dma_wait3A_334 = arith.constant 0 : i32
    %dma_wait3A_335 = tpu.memref_slice %arg6[%add3A_29, %dma_wait3A_334] : memref<16384x128xf32, #tpu.memory_space<hbm>> -> memref<128x128xf32, #tpu.memory_space<hbm>>
    %dma_wait3A_336 = arith.constant 512 : i32
    %dma_wait3A_337 = arith.constant 0 : i32
    %dma_wait3A_338 = tpu.memref_slice %arg10[%dma_wait3A_336, %dma_wait3A_337] : memref<896x128xf32, #tpu.memory_space<vmem>> -> memref<128x128xf32, #tpu.memory_space<vmem>>
    tpu.wait_dma2 semaphore(%arg12 : memref<!tpu.dma_semaphore, #tpu.memory_space<semaphore_mem>>) src(%dma_wait3A_338 : memref<128x128xf32, #tpu.memory_space<vmem>>) dst(%dma_wait3A_335 : memref<128x128xf32, #tpu.memory_space<hbm>>)
    %dma_wait3A_339 = arith.constant 640 : i32
    %dma_wait3A_340 = arith.constant 0 : i32
    %dma_wait3A_341 = tpu.memref_slice %arg10[%dma_wait3A_339, %dma_wait3A_340] : memref<896x128xf32, #tpu.memory_space<vmem>> -> memref<128x128xf32, #tpu.memory_space<vmem>>
    %dma_wait3A_342 = arith.constant 0 : i32
    %dma_wait3A_343 = tpu.memref_slice %arg7[%add3A_33, %dma_wait3A_342] : memref<16384x128xf32, #tpu.memory_space<hbm>> -> memref<128x128xf32, #tpu.memory_space<hbm>>
    %dma_wait3A_344 = arith.constant 0 : i32
    %dma_wait3A_345 = tpu.memref_slice %arg7[%add3A_33, %dma_wait3A_344] : memref<16384x128xf32, #tpu.memory_space<hbm>> -> memref<128x128xf32, #tpu.memory_space<hbm>>
    %dma_wait3A_346 = arith.constant 640 : i32
    %dma_wait3A_347 = arith.constant 0 : i32
    %dma_wait3A_348 = tpu.memref_slice %arg10[%dma_wait3A_346, %dma_wait3A_347] : memref<896x128xf32, #tpu.memory_space<vmem>> -> memref<128x128xf32, #tpu.memory_space<vmem>>
    tpu.wait_dma2 semaphore(%arg12 : memref<!tpu.dma_semaphore, #tpu.memory_space<semaphore_mem>>) src(%dma_wait3A_348 : memref<128x128xf32, #tpu.memory_space<vmem>>) dst(%dma_wait3A_345 : memref<128x128xf32, #tpu.memory_space<hbm>>)
    %dma_wait3A_349 = arith.constant 768 : i32
    %dma_wait3A_350 = arith.constant 0 : i32
    %dma_wait3A_351 = tpu.memref_slice %arg10[%dma_wait3A_349, %dma_wait3A_350] : memref<896x128xf32, #tpu.memory_space<vmem>> -> memref<128x128xf32, #tpu.memory_space<vmem>>
    %dma_wait3A_352 = arith.constant 0 : i32
    %dma_wait3A_353 = tpu.memref_slice %arg6[%add3A_37, %dma_wait3A_352] : memref<16384x128xf32, #tpu.memory_space<hbm>> -> memref<128x128xf32, #tpu.memory_space<hbm>>
    %dma_wait3A_354 = arith.constant 0 : i32
    %dma_wait3A_355 = tpu.memref_slice %arg6[%add3A_37, %dma_wait3A_354] : memref<16384x128xf32, #tpu.memory_space<hbm>> -> memref<128x128xf32, #tpu.memory_space<hbm>>
    %dma_wait3A_356 = arith.constant 768 : i32
    %dma_wait3A_357 = arith.constant 0 : i32
    %dma_wait3A_358 = tpu.memref_slice %arg10[%dma_wait3A_356, %dma_wait3A_357] : memref<896x128xf32, #tpu.memory_space<vmem>> -> memref<128x128xf32, #tpu.memory_space<vmem>>
    tpu.wait_dma2 semaphore(%arg12 : memref<!tpu.dma_semaphore, #tpu.memory_space<semaphore_mem>>) src(%dma_wait3A_358 : memref<128x128xf32, #tpu.memory_space<vmem>>) dst(%dma_wait3A_355 : memref<128x128xf32, #tpu.memory_space<hbm>>)
    %dma_wait3A_359 = arith.constant 0 : i32
    %dma_wait3A_360 = arith.constant 0 : i32
    %dma_wait3A_361 = tpu.memref_slice %arg10[%dma_wait3A_359, %dma_wait3A_360] : memref<896x128xf32, #tpu.memory_space<vmem>> -> memref<128x128xf32, #tpu.memory_space<vmem>>
    %dma_wait3A_362 = arith.constant 0 : i32
    %dma_wait3A_363 = tpu.memref_slice %arg7[%add3A_41, %dma_wait3A_362] : memref<16384x128xf32, #tpu.memory_space<hbm>> -> memref<128x128xf32, #tpu.memory_space<hbm>>
    %dma_wait3A_364 = arith.constant 0 : i32
    %dma_wait3A_365 = tpu.memref_slice %arg7[%add3A_41, %dma_wait3A_364] : memref<16384x128xf32, #tpu.memory_space<hbm>> -> memref<128x128xf32, #tpu.memory_space<hbm>>
    %dma_wait3A_366 = arith.constant 0 : i32
    %dma_wait3A_367 = arith.constant 0 : i32
    %dma_wait3A_368 = tpu.memref_slice %arg10[%dma_wait3A_366, %dma_wait3A_367] : memref<896x128xf32, #tpu.memory_space<vmem>> -> memref<128x128xf32, #tpu.memory_space<vmem>>
    tpu.wait_dma2 semaphore(%arg12 : memref<!tpu.dma_semaphore, #tpu.memory_space<semaphore_mem>>) src(%dma_wait3A_368 : memref<128x128xf32, #tpu.memory_space<vmem>>) dst(%dma_wait3A_365 : memref<128x128xf32, #tpu.memory_space<hbm>>)
    return
  }
}

</mosaic_0001>

<sc_bundles>
// kernel: kernel.3.cloned.1.call-start
scs
__scs_entry_jumppad:
0x0: {  	(pc) =	sbr.rel $0x88, $3  }
0x1: {  	(tag) =	ssettag $0x0;
	lr =	simm.s32 $0x1  }
0x2: {  	[smem:$0x3F9D] =	sst lr;
	_ =	strace $0xD0000000  }
0x3: {  	_ = 	snop  }
0x4: {  	_ = 	snop  }
0x5: {  	_ = 	snop  }
0x6: {  	_ = 	snop  }
0x7: {  	_ = 	snop  }
__scs_overlays_trampoline_lowered:
0x8: {  	[smem:$0x3FAC] =	sst s0  }
0x9: {  	[smem:$0x3FAD] =	sst s1  }
0xa: {  	[smem:$0x3FAE] =	sst s2  }
0xb: {  	[smem:$0x3FAF] =	sst s3  }
0xc: {  	[smem:$0x3FB0] =	sst s4  }
0xd: {  	[smem:$0x3FB1] =	sst s5  }
0xe: {  	[smem:$0x3FB2] =	sst s6  }
0xf: {  	[smem:$0x3FB3] =	sst s7  }
0x10: {  	[smem:$0x3FB4] =	sst s8  }
0x11: {  	[smem:$0x3FB5] =	sst s9;
	s0 =	simm.s32 @!p0 $0x0  }
0x12: {  	s1 =	sld [smem:$0x3F9B];
	s0 =	simm.s32 @p0 $0x1  }
0x13: {  	[smem:$0x3FB6] =	sst s0;
	s0 =	simm.s32 @!p1 $0x0  }
0x14: {  	s2 =	sld [smem:$0x3F9A];
	s0 =	simm.s32 @p1 $0x1  }
0x15: {  	[smem:$0x3FB7] =	sst s0;
	s0 =	simm.s32 @!p2 $0x0  }
0x16: {  	s3 =	sld [smem:$0x3FDB];
	s0 =	simm.s32 @p2 $0x1  }
0x17: {  	s4 =	simm.s32 $0x1BF5;
	[smem:$0x3FB9] =	sst s0  }
0x18: {  	s0 =	sld [smem:$0x3F9C];
	_ =	swait.ge [sflag:s4], $0x0  }
0x19: {  	s7 =	sld [smem:$0x3F9D]  }
0x1a: {  	s8 =	sadd.s32 $0xFFFFE003, lr  }
0x1b: {  	s9 =	sadd.s32 $0xFFFFFEF7, lr;
	s5 =	simm.s32 $0xFFFFFFFF;
	p2 =	slt.u32 s8, $0xFFFFF086  }
0x1c: {  	p1 =	slt.u32 s9, $0xF7A;
	s5 =	simm.s32 @!p2 $0x0  }
0x1d: {  	s5 =	simm.s32 @p1 $0x1;
	p0 =	seq.s32 s7, s2  }
0x1e: {  	s7 =	smul.u32 @!p0 $0xF7A, s2;
	p2 =	seq.s32 @!p0 s5, $0x0  }
0x1f: {  	s9 =	smul.u32 $0xF7A, s1;
	s8 =	simm.s32 @!p0 $0x1BF5;
	p2 =	por !p2, p0  }
0x20: {  	[sflag:s8] =	ssyncset.s32 @!p0 $0xFFFFF086;
	s6 =	sadd.s32 @!p0 s3, s7;
	s7 =	simm.s32 @!p0 $0x108  }
0x21: {  	s3 =	sadd.s32 s3, s9;
	s6 =	sadd.s32 @!p0 $0x88, s6;
	s7 =	simm.s32 @p2 $0x1082  }
0x22: {  	[simem:s7], [sflag:s8] =	dma.local @!p0 [hbm:s6], $0xF7A  }
0x23: {  	s9 =	sor.u32 $0xD0000000, s2;
	s6 =	simm.s32 $0x108;
	_ =	swait.ge @!p0 [sflag:s8], $0x0  }
0x24: {  	s3 =	sadd.s32 $0x88, s3;
	s6 =	simm.s32 @!p1 $0x1082;
	[sflag:s4] =	ssyncset.s32 $0xFFFFF086  }
0x25: {  	[simem:s6], [sflag:s4] =	dma.local [hbm:s3], $0xF7A  }
0x26: {  	[smem:$0x3F9D] =	sst s1;
	(tag) =	ssettag s2;
	_ =	strace s9  }
0x27: {  	s1 =	sld [smem:$0x3FAD]  }
0x28: {  	s2 =	sld [smem:$0x3FAE]  }
0x29: {  	s4 =	sld [smem:$0x3FB0]  }
0x2a: {  	p0 =	seq.s32 s5, $0x0;
	s5 =	sld [smem:$0x3FB1]  }
0x2b: {  	s6 =	sld [smem:$0x3FB2]  }
0x2c: {  	s7 =	sld [smem:$0x3FB3]  }
0x2d: {  	s3 =	simm.s32 $0x108;
	s8 =	sld [smem:$0x3FB4]  }
0x2e: {  	s3 =	simm.s32 @!p0 $0x1082;
	s9 =	sld [smem:$0x3FB5]  }
0x2f: {  	lr =	sadd.s32 s0, s3;
	s0 =	sld [smem:$0x3FAC]  }
0x30: {  	s3 =	sld [smem:$0x3FAF]  }
0x31: {  	[smem:$0x3FB8] =	sst s10  }
0x32: {  	s10 =	sld [smem:$0x3FB6];
	_ =	sdelay $0x3  }
0x33: {  	p0 =	seq.s32 s10, $0x1;
	s10 =	sld [smem:$0x3FB8];
	_ =	sdelay $0x3  }
0x34: {  	[smem:$0x3FB8] =	sst s10  }
0x35: {  	s10 =	sld [smem:$0x3FB7];
	_ =	sdelay $0x3  }
0x36: {  	p1 =	seq.s32 s10, $0x1;
	s10 =	sld [smem:$0x3FB8];
	_ =	sdelay $0x3  }
0x37: {  	[smem:$0x3FB8] =	sst s10  }
0x38: {  	s10 =	sld [smem:$0x3FB9]  }
0x39: {  	_ = 	snop;
	(pc) =	sbr.ind lr, $3  }
0x3a: {  	_ = 	snop  }
0x3b: {  	_ = 	snop  }
0x3c: {  	p2 =	seq.s32 s10, $0x1;
	s10 =	sld [smem:$0x3FB8]  }
0x3d: {  	_ =	shalt  }
0x3e: {  	_ =	shalt  }
0x3f: {  	_ =	shalt  }
0x40: {  	_ =	shalt  }
0x41: {  	_ =	shalt  }
0x42: {  	_ =	shalt  }
0x43: {  	_ =	shalt  }
0x44: {  	_ =	shalt  }
0x45: {  	_ =	shalt  }
0x46: {  	_ =	shalt  }
0x47: {  	_ =	shalt  }
0x48: {  	_ =	shalt  }
0x49: {  	_ =	shalt  }
0x4a: {  	_ =	shalt  }
0x4b: {  	_ =	shalt  }
0x4c: {  	_ =	shalt  }
0x4d: {  	_ =	shalt  }
0x4e: {  	_ =	shalt  }
0x4f: {  	_ =	shalt  }
0x50: {  	_ =	shalt  }
0x51: {  	_ =	shalt  }
0x52: {  	_ =	shalt  }
0x53: {  	_ =	shalt  }
0x54: {  	_ =	shalt  }
0x55: {  	_ =	shalt  }
0x56: {  	_ =	shalt  }
0x57: {  	_ =	shalt  }
0x58: {  	_ =	shalt  }
0x59: {  	_ =	shalt  }
0x5a: {  	_ =	shalt  }
0x5b: {  	_ =	shalt  }
0x5c: {  	_ =	shalt  }
0x5d: {  	_ =	shalt  }
0x5e: {  	_ =	shalt  }
0x5f: {  	_ =	shalt  }
0x60: {  	_ =	shalt  }
0x61: {  	_ =	shalt  }
0x62: {  	_ =	shalt  }
0x63: {  	_ =	shalt  }
0x64: {  	_ =	shalt  }
0x65: {  	_ =	shalt  }
0x66: {  	_ =	shalt  }
0x67: {  	_ =	shalt  }
0x68: {  	_ =	shalt  }
0x69: {  	_ =	shalt  }
0x6a: {  	_ =	shalt  }
0x6b: {  	_ =	shalt  }
0x6c: {  	_ =	shalt  }
0x6d: {  	_ =	shalt  }
0x6e: {  	_ =	shalt  }
0x6f: {  	_ =	shalt  }
0x70: {  	_ =	shalt  }
0x71: {  	_ =	shalt  }
0x72: {  	_ =	shalt  }
0x73: {  	_ =	shalt  }
0x74: {  	_ =	shalt  }
0x75: {  	_ =	shalt  }
0x76: {  	_ =	shalt  }
0x77: {  	_ =	shalt  }
0x78: {  	_ =	shalt  }
0x79: {  	_ =	shalt  }
0x7a: {  	_ =	shalt  }
0x7b: {  	_ =	shalt  }
0x7c: {  	_ =	shalt  }
0x7d: {  	_ =	shalt  }
0x7e: {  	_ =	shalt  }
0x7f: {  	_ =	shalt  }
0x80: {  	_ =	shalt  }
0x81: {  	_ =	shalt  }
0x82: {  	_ =	shalt  }
0x83: {  	_ =	shalt  }
0x84: {  	_ =	shalt  }
0x85: {  	_ =	shalt  }
0x86: {  	_ =	shalt  }
0x87: {  	_ =	shalt  }
.Lfunc_end0:
.L_simem_size_0:
called_computation_lowered:
.L_overlay_start_0:
0x88: {  	s2 =	sld [smem:$0x3FD9]  }
0x89: {  	s3 =	sld [smem:$0x3FFE];
	_ =	sdelay $0x1  }
0x8a: {  	s1 =	srdreg.scid  }
0x8b: {  	s0 =	sand.u32 $0x1, s1  }
0x8c: {  	s15 =	sshll.u32 s0, $0xA;
	s2 =	sadd.s32 s3, s2  }
0x8d: {  	s2 =	sadd.s32 s2, s15  }
0x8e: {  	[smem:$0x3FC4] =	sst s2  }
0x8f: {  	_ = 	snop  }
0x90: {  	s2 =	sld [smem:$0x3FC9]  }
0x91: {  	s16 =	sld [smem:$0x3FD0]  }
0x92: {  	s4 =	sld [smem:$0x3FC8]  }
0x93: {  	s5 =	sld [smem:$0x3FC7]  }
0x94: {  	s7 =	simm.s32 $0xA;
	s8 =	simm.s32 $0x10;
	s6 =	sld [smem:$0x3FC6]  }
0x95: {  	[smem:s8], [sflag:s7] =	dma.local [hbm:s16], $0x1  }
0x96: {  	_ =	swait.eq [sflag:s7], $0x1  }
0x97: {  	[sflag:s7] =	ssyncset.done $0x0  }
0x98: {  	s17 =	sld [smem:$0x10];
	[sflag:s7] =	ssyncadd.s32 $0xFFFFFFFF  }
0x99: {  	s18 =	sld [smem:$0x11];
	(tm) =	ssettm $0x1  }
0x9a: {  	s19 =	sld [smem:$0x3FFB];
	_ =	sdelay $0x3  }
0x9b: {  	_ =	strace s19  }
0x9c: {  	s8 =	sld [smem:$0x3FFC];
	_ =	sdelay $0x3  }
0x9d: {  	_ =	strace s8  }
0x9e: {  	s8 =	sld [smem:$0x3FFD];
	_ =	sdelay $0x3  }
0x9f: {  	_ =	strace s8  }
0xa0: {  	_ =	strace $0x8FFFFFFF  }
0xa1: {  	s20 =	sld [smem:$0x3FDB];
	_ =	sdelay $0x1  }
0xa2: {  	s9 =	simm.s32 $_scs_section_size  }
0xa3: {  	s10 =	simm.s32 $_size__tile_overlayer_lowered;
	s11 =	simm.s32 $_tile_overlayer_lowered  }
0xa4: {  	s23 =	simm.s32 $0x1BFF;
	s22 =	sshll.u32 s11, $0x1;
	s8 =	sadd.s32 s9, s20  }
0xa5: {  	s12 =	simm.s32 $0x0;
	s21 =	sshll.u32 s10, $0x1;
	s10 =	sadd.s32 s22, s8  }
0xa6: {  	[timem:s12], [sflag:s23] =	dma.local [hbm:s10], s21  }
0xa7: {  	_ =	swait.ge [sflag:s23], s21  }
0xa8: {  	s9 =	ssub.s32 $0x0, s21;
	[sflag:s23] =	ssyncset.done $0x0  }
0xa9: {  	[sflag:s23] =	ssyncadd.s32 s9;
	_ =	sdelay $0x1  }
0xaa: {  	s24 =	simm.s32 $0x1B8B  }
0xab: {  	_ =	swait.ge [sflag:s24], $0x1  }
0xac: {  	[sflag:s24] =	ssyncset.done $0x0  }
0xad: {  	s25 =	simm.s32 $0x1B8E;
	[sflag:s24] =	ssyncadd.s32 $0xFFFFFFFF  }
0xae: {  	s26 =	simm.s32 $execute0_lowered;
	[smem:$0x3FD2] =	sst s25  }
0xaf: {  	s9 =	sshll.u32 s26, $0x1;
	_ =	strace $0x80000046;
	[dreg:$0x1] =	wrdreg $0xFFFFFFFF  }
0xb0: {  	s28 =	simm.s32 $_size_execute0_lowered;
	s8 =	sadd.s32 s8, s9;
	[dreg:$0x0] =	wrdreg $0x0  }
0xb1: {  	s9 =	sshll.u32 s28, $0x1;
	[dreg:$0x2] =	wrdreg s8  }
0xb2: {  	[dreg:$0x3] =	wrdreg s9  }
0xb3: {  	[dreg:$0x4] =	wrdreg $0xC0  }
0xb4: {  	_ =	task [dreg:s12], $0x5FFFF  }
0xb5: {  	[dreg:$0x1] =	wrdreg $0xFFFFFFFF  }
0xb6: {  	[dreg:$0x0] =	wrdreg $0x60  }
0xb7: {  	[dreg:$0x2] =	wrdreg s2  }
0xb8: {  	[dreg:$0x3] =	wrdreg s4  }
0xb9: {  	[dreg:$0x4] =	wrdreg s5  }
0xba: {  	[dreg:$0x5] =	wrdreg s6  }
0xbb: {  	[dreg:$0x6] =	wrdreg s17  }
0xbc: {  	[dreg:$0x7] =	wrdreg s18  }
0xbd: {  	[dreg:$0x8] =	wrdreg $0x9  }
0xbe: {  	_ =	task.clear_ibuf [dreg:s12], $0x9FFFF;
	_ =	strace $0x90000046  }
0xbf: {  	s29 =	simm.s32 $0x9;
	_ =	strace $0x80000048  }
0xc0: {  	_ =	swait.ge [sflag:s29], $0x1  }
0xc1: {  	[sflag:s29] =	ssyncadd.s32 $0xFFFFFFFF  }
0xc2: {  	_ =	strace $0x90000048  }
0xc3: {  	_ =	sfence  }
0xc4: {  	s30 =	sld [smem:$0x0];
	_ =	sdelay $0x2  }
0xc5: {  	s31 =	sshll.u32 s1, $0xD;
	s1 =	sshrl.u32 s1, $0x2  }
0xc6: {  	s3 =	sand.u32 $0x4000, s31;
	s1 =	sadd.s32 s1, s30  }
0xc7: {  	s0 =	sor.u32 s3, s0;
	s1 =	sshll.u32 s1, $0x11  }
0xc8: {  	s0 =	sor.u32 s1, s0  }
0xc9: {  	s0 =	sadd.s32 $0x8F2B, s0  }
0xca: {  	[sflag:s0] =	ssyncadd.remote.s32 $0x1  }
0xcb: {  	_ =	sfence.sel $0xFFFF  }
0xcc: {  	[dreg:$0x0] =	wrdreg $0xFFFFFFFF;
	(pc) =	sbr.abs _section_cstart, $3  }
0xcd: {  	[dreg:$0x1] =	wrdreg $0xFFFFFFFF  }
0xce: {  	_ =	task.clear_ibuf [dreg:s12], $0x2FFFF;
	_ =	strace $0x9FFFFFFF  }
0xcf: {  	(tm) =	ssettm $0x7FFFFFFF  }
tec
execute0_lowered:
.L_overlay_start_1:
0x0: {  	(tag) =	ssettag $0x1  }
0x1: {  	s5 =	rddreg [dreg:$0x0]  }
0x2: {  	s6 =	rddreg [dreg:$0x1]  }
0x3: {  	s2 =	rddreg [dreg:$0x2];
	s4 =	srdreg.scid  }
0x4: {  	s3 =	rddreg [dreg:$0x3];
	s1 =	stileid.u32;
	s31 =	sand.u32 $0x1, s4  }
0x5: {  	s29 =	rddreg [dreg:$0x4];
	s7 =	sshll.u32 s1, $0x7;
	s8 =	sshll.u32 s31, $0x6  }
0x6: {  	s30 =	rddreg [dreg:$0x5];
	s4 =	simm.s32 $0x0;
	s7 =	sor.u32 s8, s7  }
0x7: {  	[smem:$0x7FF] =	sst s4;
	s5 =	sadd.s32 s5, s7  }
0x8: {  	_ =	strace $0x80000047;
	[dreg:$0x7] =	wrdreg s5  }
0x9: {  	s5 =	rddreg [dreg:$0x7]  }
0xa: {  	[tilespmem:s4], [sflag:$0x2] =	stream.linear.gather [hbm4b:s5+s4], $0x200, $0x38;
	[tilespmem:$0x1C400] =	vst v63  }
0xb: {  	s6 =	sadd.s32 s6, s7;
	s7 =	simm.s32 $0x200;
	s5 =	simm.s32 $0x2  }
0xc: {  	[tilespmem:s7], [sflag:$0x2] =	stream.linear.gather [hbm4b:s6+s4], $0x200, $0x38;
	[tilespmem:$0x1C400] =	vst v63  }
0xd: {  	_ =	swait.ge [sflag:s5], $0x200  }
0xe: {  	[sflag:s5] =	ssyncset.done $0x0  }
0xf: {  	s9 =	simm.s32 $0x400;
	s8 =	simm.s32 $0x80;
	[sflag:s5] =	ssyncadd.s32 $0xFFFFFE00  }
0x10: {  	[tilespmem:s9], [sflag:$0x1] =	stream.indirect.gather [hbm4b:s2+s8], $0x80, s4, s8, $0xb8;
	[tilespmem:$0x1C400] =	vst v63  }
0x11: {  	_ =	swait.ge [sflag:s5], $0x200  }
0x12: {  	[sflag:s5] =	ssyncset.done $0x0  }
0x13: {  	s10 =	simm.s32 $0x4400;
	s11 =	simm.s32 $0x1;
	[sflag:s5] =	ssyncadd.s32 $0xFFFFFE00  }
0x14: {  	[tilespmem:s10], [sflag:$0x1] =	stream.indirect.gather [hbm4b:s3+s8], $0x80, s7, s8, $0xb8;
	[tilespmem:$0x1C400] =	vst v63  }
0x15: {  	s12 =	sshll.u32 s1, $0xE;
	s13 =	sshll.u32 s31, $0xD;
	_ =	swait.ge [sflag:s11], $0x4000  }
0x16: {  	s0 =	sor.u32 s13, s12;
	[sflag:s11] =	ssyncset.done $0x0  }
0x17: {  	s12 =	sadd.s32 s29, s0;
	[sflag:s11] =	ssyncadd.s32 $0xFFFFC000  }
0x18: {  	[hbm4b:s12+s4] =	stream.linear.scatter [tilespmem:s9], [sflag:$0x2], $0x4000, $0x38;
	[tilespmem:$0x1C400] =	vst v63  }
0x19: {  	s13 =	simm.s32 $0x8400  }
0x1a: {  	[tilespmem:s13], [sflag:$0x1] =	stream.indirect.gather [hbm4b:s2+s8], $0x80, s8, s8, $0xb8;
	[tilespmem:$0x1C400] =	vst v63  }
0x1b: {  	_ =	swait.ge [sflag:s11], $0x4000  }
0x1c: {  	[sflag:s11] =	ssyncset.done $0x0  }
0x1d: {  	s14 =	sadd.s32 s30, s0;
	[sflag:s11] =	ssyncadd.s32 $0xFFFFC000  }
0x1e: {  	[hbm4b:s14+s4] =	stream.linear.scatter [tilespmem:s10], [sflag:$0x2], $0x4000, $0x38;
	[tilespmem:$0x1C400] =	vst v63  }
0x1f: {  	s15 =	simm.s32 $0x280;
	s16 =	simm.s32 $0xC400  }
0x20: {  	[tilespmem:s16], [sflag:$0x1] =	stream.indirect.gather [hbm4b:s3+s8], $0x80, s15, s8, $0xb8;
	[tilespmem:$0x1C400] =	vst v63  }
0x21: {  	_ =	swait.ge [sflag:s11], $0x4000  }
0x22: {  	s20 =	sor.u32 $0x800, s0;
	[sflag:s11] =	ssyncset.done $0x0  }
0x23: {  	s17 =	sadd.s32 s29, s20;
	[sflag:s11] =	ssyncadd.s32 $0xFFFFC000  }
0x24: {  	[hbm4b:s17+s4] =	stream.linear.scatter [tilespmem:s13], [sflag:$0x2], $0x4000, $0x38;
	[tilespmem:$0x1C400] =	vst v63  }
0x25: {  	s18 =	simm.s32 $0x100;
	s19 =	simm.s32 $0x10400  }
0x26: {  	[tilespmem:s19], [sflag:$0x1] =	stream.indirect.gather [hbm4b:s2+s8], $0x80, s18, s8, $0xb8;
	[tilespmem:$0x1C400] =	vst v63  }
0x27: {  	_ =	swait.ge [sflag:s11], $0x4000  }
0x28: {  	[sflag:s11] =	ssyncset.done $0x0  }
0x29: {  	s20 =	sadd.s32 s30, s20;
	[sflag:s11] =	ssyncadd.s32 $0xFFFFC000  }
0x2a: {  	[hbm4b:s20+s4] =	stream.linear.scatter [tilespmem:s16], [sflag:$0x2], $0x4000, $0x38;
	[tilespmem:$0x1C400] =	vst v63  }
0x2b: {  	s21 =	simm.s32 $0x300;
	s22 =	simm.s32 $0x14400  }
0x2c: {  	[tilespmem:s22], [sflag:$0x1] =	stream.indirect.gather [hbm4b:s3+s8], $0x80, s21, s8, $0xb8;
	[tilespmem:$0x1C400] =	vst v63  }
0x2d: {  	_ =	swait.ge [sflag:s11], $0x4000  }
0x2e: {  	s26 =	sor.u32 $0x1000, s0;
	[sflag:s11] =	ssyncset.done $0x0  }
0x2f: {  	s23 =	sadd.s32 s29, s26;
	[sflag:s11] =	ssyncadd.s32 $0xFFFFC000  }
0x30: {  	[hbm4b:s23+s4] =	stream.linear.scatter [tilespmem:s19], [sflag:$0x2], $0x4000, $0x38;
	[tilespmem:$0x1C400] =	vst v63  }
0x31: {  	s24 =	simm.s32 $0x180;
	s25 =	simm.s32 $0x18400  }
0x32: {  	[tilespmem:s25], [sflag:$0x1] =	stream.indirect.gather [hbm4b:s2+s8], $0x80, s24, s8, $0xb8;
	[tilespmem:$0x1C400] =	vst v63  }
0x33: {  	_ =	swait.ge [sflag:s11], $0x4000  }
0x34: {  	[sflag:s11] =	ssyncset.done $0x0  }
0x35: {  	s26 =	sadd.s32 s30, s26;
	[sflag:s11] =	ssyncadd.s32 $0xFFFFC000  }
0x36: {  	[hbm4b:s26+s4] =	stream.linear.scatter [tilespmem:s22], [sflag:$0x2], $0x4000, $0x38;
	[tilespmem:$0x1C400] =	vst v63  }
0x37: {  	_ =	swait.ge [sflag:s5], $0x4000  }
0x38: {  	[sflag:s5] =	ssyncset.done $0x0  }
0x39: {  	s28 =	simm.s32 $0x380;
	[sflag:s5] =	ssyncadd.s32 $0xFFFFC000  }
0x3a: {  	[tilespmem:s9], [sflag:$0x1] =	stream.indirect.gather [hbm4b:s3+s8], $0x80, s28, s8, $0xb8;
	[tilespmem:$0x1C400] =	vst v63  }
0x3b: {  	_ =	swait.ge [sflag:s11], $0x4000  }
0x3c: {  	s0 =	sor.u32 $0x1800, s0;
	[sflag:s11] =	ssyncset.done $0x0  }
0x3d: {  	s29 =	sadd.s32 s29, s0;
	[sflag:s11] =	ssyncadd.s32 $0xFFFFC000  }
0x3e: {  	[hbm4b:s29+s4] =	stream.linear.scatter [tilespmem:s25], [sflag:$0x2], $0x4000, $0x38;
	[tilespmem:$0x1C400] =	vst v63  }
0x3f: {  	_ =	swait.ge [sflag:s11], $0x4000  }
0x40: {  	[sflag:s11] =	ssyncset.done $0x0  }
0x41: {  	s30 =	sadd.s32 s30, s0;
	[sflag:s11] =	ssyncadd.s32 $0xFFFFC000  }
0x42: {  	[hbm4b:s30+s4] =	stream.linear.scatter [tilespmem:s9], [sflag:$0x2], $0x4000, $0x38;
	[tilespmem:$0x1C400] =	vst v63  }
0x43: {  	_ =	swait.ge [sflag:s5], $0x4000  }
0x44: {  	[sflag:s5] =	ssyncset.done $0x0  }
0x45: {  	[sflag:s5] =	ssyncadd.s32 $0xFFFFC000  }
0x46: {  	_ =	swait.ge [sflag:s5], $0x4000  }
0x47: {  	[sflag:s5] =	ssyncset.done $0x0  }
0x48: {  	[sflag:s5] =	ssyncadd.s32 $0xFFFFC000  }
0x49: {  	_ =	swait.ge [sflag:s5], $0x4000  }
0x4a: {  	[sflag:s5] =	ssyncset.done $0x0  }
0x4b: {  	[sflag:s5] =	ssyncadd.s32 $0xFFFFC000  }
0x4c: {  	s0 =	ssub.s32 $0x2, s31;
	_ =	swait.ge [sflag:s5], $0x4000  }
0x4d: {  	s31 =	sshrl.u32 s0, $0x1;
	[sflag:s5] =	ssyncset.done $0x0  }
0x4e: {  	s0 =	ssub.s32 s0, s31;
	[sflag:s5] =	ssyncadd.s32 $0xFFFFC000  }
0x4f: {  	s0 =	smax.u32 s0, $0x1;
	_ =	swait.ge [sflag:s5], $0x4000  }
0x50: {  	p0 =	sne.s32 s0, $0x1;
	[sflag:s5] =	ssyncset.done $0x0  }
.Ltmp0:
0x51: {  	[sflag:s5] =	ssyncadd.s32 $0xFFFFC000;
	(pc) =	sbr.rel @!p0 .LBB2_2-.Ltmp0, $4  }
0x52: {  	_ =	swait.ge [sflag:s5], $0x4000  }
0x53: {  	[sflag:s5] =	ssyncset.done $0x0  }
0x54: {  	[sflag:s5] =	ssyncadd.s32 $0xFFFFC000  }
0x55: {  	s31 =	sadd.s32 $0xFFFFFFFF, s0;
	_ =	swait.ge [sflag:s5], $0x4000  }
.LBB2_1:
0x56: {  	[sflag:s5] =	ssyncset.done $0x0  }
0x57: {  	s0 =	rddreg [dreg:$0x7];
	[sflag:s5] =	ssyncadd.s32 $0xFFFFC000  }
0x58: {  	[tilespmem:s4], [sflag:$0x2] =	stream.linear.gather [hbm4b:s0+s4], $0x200, $0x38;
	[tilespmem:$0x1C400] =	vst v63  }
0x59: {  	_ = 	snop  }
0x5a: {  	[tilespmem:s7], [sflag:$0x2] =	stream.linear.gather [hbm4b:s6+s4], $0x200, $0x38;
	[tilespmem:$0x1C400] =	vst v63  }
0x5b: {  	_ =	swait.ge [sflag:s5], $0x200  }
0x5c: {  	[sflag:s5] =	ssyncset.done $0x0  }
0x5d: {  	[sflag:s5] =	ssyncadd.s32 $0xFFFFFE00  }
0x5e: {  	[tilespmem:s9], [sflag:$0x1] =	stream.indirect.gather [hbm4b:s2+s8], $0x80, s4, s8, $0xb8;
	[tilespmem:$0x1C400] =	vst v63  }
0x5f: {  	_ =	swait.ge [sflag:s5], $0x200  }
0x60: {  	[sflag:s5] =	ssyncset.done $0x0  }
0x61: {  	[sflag:s5] =	ssyncadd.s32 $0xFFFFFE00  }
0x62: {  	[tilespmem:s10], [sflag:$0x1] =	stream.indirect.gather [hbm4b:s3+s8], $0x80, s7, s8, $0xb8;
	[tilespmem:$0x1C400] =	vst v63  }
0x63: {  	_ =	swait.ge [sflag:s11], $0x4000  }
0x64: {  	[sflag:s11] =	ssyncset.done $0x0  }
0x65: {  	[sflag:s11] =	ssyncadd.s32 $0xFFFFC000  }
0x66: {  	[hbm4b:s12+s4] =	stream.linear.scatter [tilespmem:s9], [sflag:$0x2], $0x4000, $0x38;
	[tilespmem:$0x1C400] =	vst v63  }
0x67: {  	_ = 	snop  }
0x68: {  	[tilespmem:s13], [sflag:$0x1] =	stream.indirect.gather [hbm4b:s2+s8], $0x80, s8, s8, $0xb8;
	[tilespmem:$0x1C400] =	vst v63  }
0x69: {  	_ =	swait.ge [sflag:s11], $0x4000  }
0x6a: {  	[sflag:s11] =	ssyncset.done $0x0  }
0x6b: {  	[sflag:s11] =	ssyncadd.s32 $0xFFFFC000  }
0x6c: {  	[hbm4b:s14+s4] =	stream.linear.scatter [tilespmem:s10], [sflag:$0x2], $0x4000, $0x38;
	[tilespmem:$0x1C400] =	vst v63  }
0x6d: {  	_ = 	snop  }
0x6e: {  	[tilespmem:s16], [sflag:$0x1] =	stream.indirect.gather [hbm4b:s3+s8], $0x80, s15, s8, $0xb8;
	[tilespmem:$0x1C400] =	vst v63  }
0x6f: {  	_ =	swait.ge [sflag:s11], $0x4000  }
0x70: {  	[sflag:s11] =	ssyncset.done $0x0  }
0x71: {  	[sflag:s11] =	ssyncadd.s32 $0xFFFFC000  }
0x72: {  	[hbm4b:s17+s4] =	stream.linear.scatter [tilespmem:s13], [sflag:$0x2], $0x4000, $0x38;
	[tilespmem:$0x1C400] =	vst v63  }
0x73: {  	_ = 	snop  }
0x74: {  	[tilespmem:s19], [sflag:$0x1] =	stream.indirect.gather [hbm4b:s2+s8], $0x80, s18, s8, $0xb8;
	[tilespmem:$0x1C400] =	vst v63  }
0x75: {  	_ =	swait.ge [sflag:s11], $0x4000  }
0x76: {  	[sflag:s11] =	ssyncset.done $0x0  }
0x77: {  	[sflag:s11] =	ssyncadd.s32 $0xFFFFC000  }
0x78: {  	[hbm4b:s20+s4] =	stream.linear.scatter [tilespmem:s16], [sflag:$0x2], $0x4000, $0x38;
	[tilespmem:$0x1C400] =	vst v63  }
0x79: {  	_ = 	snop  }
0x7a: {  	[tilespmem:s22], [sflag:$0x1] =	stream.indirect.gather [hbm4b:s3+s8], $0x80, s21, s8, $0xb8;
	[tilespmem:$0x1C400] =	vst v63  }
0x7b: {  	_ =	swait.ge [sflag:s11], $0x4000  }
0x7c: {  	[sflag:s11] =	ssyncset.done $0x0  }
0x7d: {  	[sflag:s11] =	ssyncadd.s32 $0xFFFFC000  }
0x7e: {  	[hbm4b:s23+s4] =	stream.linear.scatter [tilespmem:s19], [sflag:$0x2], $0x4000, $0x38;
	[tilespmem:$0x1C400] =	vst v63  }
0x7f: {  	_ = 	snop  }
0x80: {  	[tilespmem:s25], [sflag:$0x1] =	stream.indirect.gather [hbm4b:s2+s8], $0x80, s24, s8, $0xb8;
	[tilespmem:$0x1C400] =	vst v63  }
0x81: {  	_ =	swait.ge [sflag:s11], $0x4000  }
0x82: {  	[sflag:s11] =	ssyncset.done $0x0  }
0x83: {  	[sflag:s11] =	ssyncadd.s32 $0xFFFFC000  }
0x84: {  	[hbm4b:s26+s4] =	stream.linear.scatter [tilespmem:s22], [sflag:$0x2], $0x4000, $0x38;
	[tilespmem:$0x1C400] =	vst v63  }
0x85: {  	_ =	swait.ge [sflag:s5], $0x4000  }
0x86: {  	[sflag:s5] =	ssyncset.done $0x0  }
0x87: {  	[sflag:s5] =	ssyncadd.s32 $0xFFFFC000  }
0x88: {  	[tilespmem:s9], [sflag:$0x1] =	stream.indirect.gather [hbm4b:s3+s8], $0x80, s28, s8, $0xb8;
	[tilespmem:$0x1C400] =	vst v63  }
0x89: {  	_ =	swait.ge [sflag:s11], $0x4000  }
0x8a: {  	[sflag:s11] =	ssyncset.done $0x0  }
0x8b: {  	[sflag:s11] =	ssyncadd.s32 $0xFFFFC000  }
0x8c: {  	[hbm4b:s29+s4] =	stream.linear.scatter [tilespmem:s25], [sflag:$0x2], $0x4000, $0x38;
	[tilespmem:$0x1C400] =	vst v63  }
0x8d: {  	_ =	swait.ge [sflag:s11], $0x4000  }
0x8e: {  	[sflag:s11] =	ssyncset.done $0x0  }
0x8f: {  	[sflag:s11] =	ssyncadd.s32 $0xFFFFC000  }
0x90: {  	[hbm4b:s30+s4] =	stream.linear.scatter [tilespmem:s9], [sflag:$0x2], $0x4000, $0x38;
	[tilespmem:$0x1C400] =	vst v63  }
0x91: {  	_ =	swait.ge [sflag:s5], $0x4000  }
0x92: {  	[sflag:s5] =	ssyncset.done $0x0  }
0x93: {  	[sflag:s5] =	ssyncadd.s32 $0xFFFFC000  }
0x94: {  	_ =	swait.ge [sflag:s5], $0x4000  }
0x95: {  	[sflag:s5] =	ssyncset.done $0x0  }
0x96: {  	[sflag:s5] =	ssyncadd.s32 $0xFFFFC000  }
0x97: {  	_ =	swait.ge [sflag:s5], $0x4000  }
0x98: {  	[sflag:s5] =	ssyncset.done $0x0  }
0x99: {  	[sflag:s5] =	ssyncadd.s32 $0xFFFFC000  }
0x9a: {  	_ =	swait.ge [sflag:s5], $0x4000  }
0x9b: {  	[sflag:s5] =	ssyncset.done $0x0  }
0x9c: {  	[sflag:s5] =	ssyncadd.s32 $0xFFFFC000  }
0x9d: {  	_ =	swait.ge [sflag:s5], $0x4000  }
0x9e: {  	p0 =	sne.s32 s31, $0x1;
	[sflag:s5] =	ssyncset.done $0x0  }
.Ltmp1:
0x9f: {  	[sflag:s5] =	ssyncadd.s32 $0xFFFFC000;
	(pc) =	sbr.rel @p0 .LBB2_1-.Ltmp1, $4  }
0xa0: {  	_ =	swait.ge [sflag:s5], $0x4000  }
0xa1: {  	[sflag:s5] =	ssyncset.done $0x0  }
0xa2: {  	[sflag:s5] =	ssyncadd.s32 $0xFFFFC000  }
0xa3: {  	s31 =	sadd.s32 $0xFFFFFFFF, s31;
	_ =	swait.ge [sflag:s5], $0x4000  }
.LBB2_2:
0xa4: {  	[sflag:s5] =	ssyncset.done $0x0  }
0xa5: {  	[sflag:s5] =	ssyncadd.s32 $0xFFFFC000  }
0xa6: {  	_ =	sfence.sel $0x180000  }
0xa7: {  	[bflag:$0x0] =	sbarrier.arrive $0xFFFF  }
0xa8: {  	_ =	strace $0x90000047  }
0xa9: {  	[bflag:$0x2] =	sbarrier.arrive $0xFFFF  }
0xaa: {  	p0 =	sne.s32 s1, $0x0;
	s0 =	rddreg [dreg:$0x6]  }
0xab: {  	s0 =	sadd.s32 @!p0 $0x100000, s0  }
0xac: {  	[sflag:s0] =	ssyncadd.tile.s32 @!p0 $0x1;
	_ =	shalt  }
.Lfunc_end2:
_tile_overlayer_lowered:
.L_overlay_start_2:
0xad: {  	(tag) =	ssettag $0x2  }
0xae: {  	s0 =	rddreg [dreg:$0x0];
	s2 =	stileid.u32  }
0xaf: {  	s1 =	rddreg [dreg:$0x1];
	p0 =	sne.s32 s2, $0x0  }
0xb0: {  	s3 =	rddreg [dreg:$0x2];
	[bflag:$0x3] =	sbarrier.arrive $0xFFFF;
	s2 =	simm.s32 @!p0 $0x1C03  }
0xb1: {  	[timem:s3], [sflag:s2] =	dma.local @!p0 [hbm:s0], s1  }
0xb2: {  	s0 =	simm.s32 @!p0 $0x3  }
0xb3: {  	_ =	swait.ge @!p0 [sflag:s0], s1  }
0xb4: {  	s1 =	ssub.s32 @!p0 $0x0, s1;
	[sflag:s0] =	ssyncset.done @!p0 $0x0  }
0xb5: {  	[sflag:s0] =	ssyncadd.s32 @!p0 s1  }
0xb6: {  	[bflag:$0x3] =	sbarrier.arrive $0xFFFF  }
0xb7: {  	_ =	shalt  }

</sc_bundles>
